<compile_context>
chip_gen: v7x
topology: tpu7x:2x2x1
jax: 0.10.2.dev20260603
libtpu: 0.0.44.dev20260713+nightly
codegen_flags: <defaults>
</compile_context>

<pallas_src>
import dataclasses
import functools

import jax
import jax.numpy as jnp
from jax import lax
from jax.experimental import pallas as pl
from jax.experimental.pallas import tpu as pltpu
from jax.experimental.pallas import tpu_sc as plsc

N_NODES = 10000
NODE_DIM = 128
EDGE_DIM = 4
N_EDGES = 320000
TWO_D = 2 * NODE_DIM

NC = 2
NS = 16
NW = NC * NS
EPT = N_EDGES // NW
EB = 40
NBLK = EPT // EB
ACC_ROWS = 10240
ROWS_PER_TILE = ACC_ROWS // NS
ZROWS = 16


def _tc_precompute(x, WsT, WrT, brow):
    blk = 1000

    def body(x_ref, ws_ref, wr_ref, b_ref, xs_ref, xr_ref):
        xb = x_ref[...]
        xs_ref[...] = jnp.dot(xb, ws_ref[...], preferred_element_type=jnp.float32)
        xr_ref[...] = (jnp.dot(xb, wr_ref[...], preferred_element_type=jnp.float32)
                       + b_ref[...])

    return pl.pallas_call(
        body,
        grid=(N_NODES // blk,),
        in_specs=[
            pl.BlockSpec((blk, NODE_DIM), lambda i: (i, 0)),
            pl.BlockSpec((NODE_DIM, TWO_D), lambda i: (0, 0)),
            pl.BlockSpec((NODE_DIM, TWO_D), lambda i: (0, 0)),
            pl.BlockSpec((1, TWO_D), lambda i: (0, 0)),
        ],
        out_specs=[
            pl.BlockSpec((blk, TWO_D), lambda i: (i, 0)),
            pl.BlockSpec((blk, TWO_D), lambda i: (i, 0)),
        ],
        out_shape=[jax.ShapeDtypeStruct((N_NODES, TWO_D), jnp.float32)] * 2,
    )(x, WsT, WrT, brow)


def _tc_combine(partials):
    blk = 1000

    def body(p_ref, o_ref):
        o_ref[...] = p_ref[0] + p_ref[1]

    return pl.pallas_call(
        body,
        grid=(N_NODES // blk,),
        in_specs=[pl.BlockSpec((2, blk, NODE_DIM), lambda i: (0, i, 0))],
        out_specs=pl.BlockSpec((blk, NODE_DIM), lambda i: (i, 0)),
        out_shape=jax.ShapeDtypeStruct((N_NODES, NODE_DIM), jnp.float32),
    )(partials)


def _msg_pair(av, am):
    ax = jnp.abs(av)
    t = jnp.exp(-ax)
    s_ = t / (2.0 + t)
    s2 = s_ * s_
    p = s_ * (2.0 + s2 * (2.0 / 3.0 + s2 * (0.4 + s2 * (2.0 / 7.0))))
    sp = jnp.maximum(av, 0.0) + p
    sg = 1.0 / (1.0 + jnp.exp(-am))
    return sp * sg


def _sc_edges(XS, XR, sidx, ridx, edge_ft, WeT):
    mesh = plsc.VectorSubcoreMesh(core_axis_name="c", subcore_axis_name="s")
    cp = pltpu.CompilerParams()
    if "needs_layout_passes" in pltpu.CompilerParams.__dataclass_fields__:
        cp = dataclasses.replace(cp, needs_layout_passes=False)

    @functools.partial(
        pl.kernel,
        mesh=mesh,
        compiler_params=cp,
        out_type=jax.ShapeDtypeStruct((NC, N_NODES, NODE_DIM), jnp.float32),
        scratch_types=[
            pltpu.VMEM((EB,), jnp.int32),
            pltpu.VMEM((EB,), jnp.int32),
            pltpu.VMEM((EB, TWO_D), jnp.float32),
            pltpu.VMEM((EB, TWO_D), jnp.float32),
            pltpu.VMEM((EB * EDGE_DIM,), jnp.float32),
            pltpu.VMEM((EDGE_DIM, TWO_D), jnp.float32),
            pltpu.VMEM((EB, NODE_DIM), jnp.float32),
            pltpu.VMEM((ZROWS, NODE_DIM), jnp.float32),
            pltpu.VMEM_SHARED((ACC_ROWS, NODE_DIM), jnp.float32),
            pltpu.SemaphoreType.DMA,
        ],
    )
    def k(xs_hbm, xr_hbm, s_hbm, r_hbm, ef_hbm, wet_hbm, out_hbm,
          sb, rb, xsb, xrb, efb, wetb, msgb, zb, acc, sem):
        cid = lax.axis_index("c")
        sid = lax.axis_index("s")
        wid = sid * NC + cid
        base = wid * EPT

        pltpu.sync_copy(wet_hbm, wetb)

        @pl.loop(0, ZROWS)
        def _z(i):
            for j in range(NODE_DIM // 16):
                zb[i, pl.ds(16 * j, 16)] = jnp.zeros((16,), jnp.float32)

        @pl.loop(0, ROWS_PER_TILE // ZROWS)
        def _zc(i):
            pltpu.sync_copy(zb, acc.at[pl.ds(sid * ROWS_PER_TILE + i * ZROWS, ZROWS)])

        plsc.subcore_barrier()

        @pl.loop(0, NBLK)
        def _blk(b):
            off = base + b * EB
            pltpu.sync_copy(s_hbm.at[pl.ds(off, EB)], sb)
            pltpu.sync_copy(r_hbm.at[pl.ds(off, EB)], rb)
            pltpu.async_copy(xs_hbm.at[sb], xsb, sem).wait()
            pltpu.async_copy(xr_hbm.at[rb], xrb, sem).wait()
            pltpu.sync_copy(ef_hbm.at[pl.ds(off * EDGE_DIM, EB * EDGE_DIM)], efb)

            @pl.loop(0, EB)
            def _edge(e):
                ebase = e * EDGE_DIM
                ef = [plsc.load_gather(efb, [jnp.full((16,), ebase + kk, jnp.int32)])
                      for kk in range(EDGE_DIM)]
                for j in range(NODE_DIM // 16):
                    cv = pl.ds(16 * j, 16)
                    cm = pl.ds(NODE_DIM + 16 * j, 16)
                    av = xsb[e, cv] + xrb[e, cv]
                    am = xsb[e, cm] + xrb[e, cm]
                    for kk in range(EDGE_DIM):
                        av = av + ef[kk] * wetb[kk, cv]
                        am = am + ef[kk] * wetb[kk, cm]
                    msgb[e, cv] = _msg_pair(av, am)

            pltpu.sync_copy(msgb, acc.at[rb], add=True)

        plsc.subcore_barrier()

        nchunks = jnp.where(sid == NS - 1, (N_NODES - (NS - 1) * ROWS_PER_TILE) // ZROWS,
                            ROWS_PER_TILE // ZROWS)

        @pl.loop(0, nchunks)
        def _out(i):
            rows = pl.ds(sid * ROWS_PER_TILE + i * ZROWS, ZROWS)
            pltpu.sync_copy(acc.at[rows], out_hbm.at[cid, rows])

    return k(XS, XR, sidx, ridx, edge_ft, WeT)


def kernel(x, edge_index, edge_ft, Wv, bv, Wm, bm):
    s = edge_index[0].astype(jnp.int32)
    r = edge_index[1].astype(jnp.int32)
    WsT = jnp.concatenate([Wv[:, :NODE_DIM].T, Wm[:, :NODE_DIM].T], axis=1)
    WrT = jnp.concatenate([Wv[:, NODE_DIM:TWO_D].T, Wm[:, NODE_DIM:TWO_D].T], axis=1)
    WeT = jnp.concatenate([Wv[:, TWO_D:].T, Wm[:, TWO_D:].T], axis=1)
    brow = jnp.concatenate([bv, bm])[None, :]
    XS, XR = _tc_precompute(x, WsT, WrT, brow)
    partials = _sc_edges(XS, XR, s, r, edge_ft.reshape(-1), WeT)
    return _tc_combine(partials)

# --- scband reference (transcript-rebuilt; emitter-appended) ---
"""Pipeline reference for scband-cgclayer-11235634446410 (READ-ONLY COPY).

The authoritative reference and input builder live on the scoring server;
editing this copy changes nothing except your own understanding.
"""

import jax, jax.numpy as jnp
import numpy as np

NODE_DIM = 128
EDGE_DIM = 4
N_NODES = 10000
N_EDGES = 320000
HID = 2 * NODE_DIM + EDGE_DIM  # 260


def setup_inputs(seed: int = 0) -> dict:
    key = jax.random.key(seed)
    k_x, k_ei, k_ef, k_wv, k_bv, k_wm, k_bm = jax.random.split(key, 7)
    x = jax.random.normal(k_x, (N_NODES, NODE_DIM), dtype=jnp.float32)
    edge_index = jax.random.randint(k_ei, (2, N_EDGES), 0, N_NODES, dtype=jnp.int64)
    edge_ft = jax.random.normal(k_ef, (N_EDGES, EDGE_DIM), dtype=jnp.float32)
    # Linear params, torch.nn.Linear layout: W [out, in], b [out]
    bound = 1.0 / np.sqrt(HID)
    Wv = jax.random.uniform(k_wv, (NODE_DIM, HID), minval=-bound, maxval=bound, dtype=jnp.float32)
    bv = jax.random.uniform(k_bv, (NODE_DIM,), minval=-bound, maxval=bound, dtype=jnp.float32)
    Wm = jax.random.uniform(k_wm, (NODE_DIM, HID), minval=-bound, maxval=bound, dtype=jnp.float32)
    bm = jax.random.uniform(k_bm, (NODE_DIM,), minval=-bound, maxval=bound, dtype=jnp.float32)
    return {"x": x, "edge_index": edge_index, "edge_ft": edge_ft,
            "Wv": Wv, "bv": bv, "Wm": Wm, "bm": bm}


def reference(x, edge_index, edge_ft, Wv, bv, Wm, bm):
    sender = edge_index[0]
    receiver = edge_index[1]
    c = jnp.concatenate([jnp.take(x, sender, axis=0),
                         jnp.take(x, receiver, axis=0),
                         edge_ft], axis=1)
    msg = jax.nn.softplus(c @ Wv.T + bv) * jax.nn.sigmoid(c @ Wm.T + bm)
    out = jax.ops.segment_sum(msg, receiver, num_segments=x.shape[0])
    return out

if __name__ == "__main__":
    import jax
    _d = setup_inputs()
    print(jax.jit(kernel)(*tuple(_d.values())))

</pallas_src>

<mosaic_0001>
#map = affine_map<(d0, d1) -> (0, 0)>
#map1 = affine_map<(d0, d1) -> (0)>
#map2 = affine_map<(d0, d1) -> (0, 0, 0)>
module attributes {stable_mosaic.version = 14 : i64} {
  func.func @k(%arg0: i32, %arg1: i32, %arg2: memref<10000x256xf32, #tpu.memory_space<hbm>>, %arg3: memref<10000x256xf32, #tpu.memory_space<hbm>>, %arg4: memref<320000xi32, #tpu.memory_space<hbm>>, %arg5: memref<320000xi32, #tpu.memory_space<hbm>>, %arg6: memref<1280000xf32, #tpu.memory_space<hbm>>, %arg7: memref<4x256xf32, #tpu.memory_space<hbm>>, %arg8: memref<2x10000x128xf32, #tpu.memory_space<hbm>>, %arg9: memref<40xi32, #tpu.memory_space<vmem>>, %arg10: memref<40xi32, #tpu.memory_space<vmem>>, %arg11: memref<40x256xf32, #tpu.memory_space<vmem>>, %arg12: memref<40x256xf32, #tpu.memory_space<vmem>>, %arg13: memref<160xf32, #tpu.memory_space<vmem>>, %arg14: memref<4x256xf32, #tpu.memory_space<vmem>>, %arg15: memref<40x128xf32, #tpu.memory_space<vmem>>, %arg16: memref<16x128xf32, #tpu.memory_space<vmem>>, %arg17: memref<10240x128xf32, #tpu.memory_space<vmem_shared>>, %arg18: memref<!tpu.dma_semaphore, #tpu.memory_space<semaphore_mem>>) attributes {dimension_semantics = [#tpu.dimension_semantics<core_parallel>, #tpu.dimension_semantics<subcore_parallel>], iteration_bounds = array<i64: 2, 16>, scalar_prefetch = 0 : i64, scratch_operands = 10 : i64, tpu.core_type = #tpu.core_type<sc_vector_subcore>, window_params = [{transform_indices = #map}, {transform_indices = #map}, {transform_indices = #map1}, {transform_indices = #map1}, {transform_indices = #map1}, {transform_indices = #map}, {transform_indices = #map2}]} {
    %mul3A = arith.constant 2 : i32
    %mul3A_0 = arith.muli %arg1, %mul3A : i32
    %add3A = arith.addi %mul3A_0, %arg0 : i32
    %mul3A_1 = arith.constant 10000 : i32
    %mul3A_2 = arith.muli %add3A, %mul3A_1 : i32
    "tpu.region"() ({
      %run_scoped3A = tpu.sem_alloc : memref<!tpu.dma_semaphore, #tpu.memory_space<semaphore_mem>>
      tpu.enqueue_dma source(%arg7 : memref<4x256xf32, #tpu.memory_space<hbm>>) target(%arg14 : memref<4x256xf32, #tpu.memory_space<vmem>>) target_semaphore(%run_scoped3A : memref<!tpu.dma_semaphore, #tpu.memory_space<semaphore_mem>>)
      tpu.wait_dma2 semaphore(%run_scoped3A : memref<!tpu.dma_semaphore, #tpu.memory_space<semaphore_mem>>) src(%arg7 : memref<4x256xf32, #tpu.memory_space<hbm>>) dst(%arg14 : memref<4x256xf32, #tpu.memory_space<vmem>>)
      tpu.yield
    }) : () -> ()
    %scan3A = arith.constant 0 : i32
    %scan3A_3 = arith.constant 16 : i32
    %scan3A_4 = arith.addi %scan3A, %scan3A_3 : i32
    %scan3A_5 = arith.constant 1 : i32
    scf.for %scan3A_36 = %scan3A to %scan3A_4 step %scan3A_5  : i32 {
      %mul3A_37 = arith.constant 1 : i32
      %mul3A_38 = arith.muli %scan3A_36, %mul3A_37 : i32
      %add3A_39 = arith.constant 0 : i32
      %add3A_40 = arith.addi %add3A_39, %mul3A_38 : i32
      %broadcast_in_dim3A = arith.constant 0.000000e+00 : f32
      %broadcast_in_dim3A_41 = vector.broadcast %broadcast_in_dim3A : f32 to vector<16xf32>
      %swap3A = arith.index_cast %add3A_40 : i32 to index
      %swap3A_42 = arith.constant 0 : index
      %swap3A_43 = tpu.vector_load %arg16[%swap3A, %swap3A_42] {strides = array<i32>} : memref<16x128xf32, #tpu.memory_space<vmem>>, vector<16xf32>,
      tpu.vector_store %arg16[%swap3A, %swap3A_42], %broadcast_in_dim3A_41 {strides = array<i32>} : memref<16x128xf32, #tpu.memory_space<vmem>>, vector<16xf32>,
      %broadcast_in_dim3A_44 = arith.constant 0.000000e+00 : f32
      %broadcast_in_dim3A_45 = vector.broadcast %broadcast_in_dim3A_44 : f32 to vector<16xf32>
      %swap3A_46 = arith.index_cast %add3A_40 : i32 to index
      %swap3A_47 = arith.constant 16 : index
      %swap3A_48 = tpu.vector_load %arg16[%swap3A_46, %swap3A_47] {strides = array<i32>} : memref<16x128xf32, #tpu.memory_space<vmem>>, vector<16xf32>,
      tpu.vector_store %arg16[%swap3A_46, %swap3A_47], %broadcast_in_dim3A_45 {strides = array<i32>} : memref<16x128xf32, #tpu.memory_space<vmem>>, vector<16xf32>,
      %broadcast_in_dim3A_49 = arith.constant 0.000000e+00 : f32
      %broadcast_in_dim3A_50 = vector.broadcast %broadcast_in_dim3A_49 : f32 to vector<16xf32>
      %swap3A_51 = arith.index_cast %add3A_40 : i32 to index
      %swap3A_52 = arith.constant 32 : index
      %swap3A_53 = tpu.vector_load %arg16[%swap3A_51, %swap3A_52] {strides = array<i32>} : memref<16x128xf32, #tpu.memory_space<vmem>>, vector<16xf32>,
      tpu.vector_store %arg16[%swap3A_51, %swap3A_52], %broadcast_in_dim3A_50 {strides = array<i32>} : memref<16x128xf32, #tpu.memory_space<vmem>>, vector<16xf32>,
      %broadcast_in_dim3A_54 = arith.constant 0.000000e+00 : f32
      %broadcast_in_dim3A_55 = vector.broadcast %broadcast_in_dim3A_54 : f32 to vector<16xf32>
      %swap3A_56 = arith.index_cast %add3A_40 : i32 to index
      %swap3A_57 = arith.constant 48 : index
      %swap3A_58 = tpu.vector_load %arg16[%swap3A_56, %swap3A_57] {strides = array<i32>} : memref<16x128xf32, #tpu.memory_space<vmem>>, vector<16xf32>,
      tpu.vector_store %arg16[%swap3A_56, %swap3A_57], %broadcast_in_dim3A_55 {strides = array<i32>} : memref<16x128xf32, #tpu.memory_space<vmem>>, vector<16xf32>,
      %broadcast_in_dim3A_59 = arith.constant 0.000000e+00 : f32
      %broadcast_in_dim3A_60 = vector.broadcast %broadcast_in_dim3A_59 : f32 to vector<16xf32>
      %swap3A_61 = arith.index_cast %add3A_40 : i32 to index
      %swap3A_62 = arith.constant 64 : index
      %swap3A_63 = tpu.vector_load %arg16[%swap3A_61, %swap3A_62] {strides = array<i32>} : memref<16x128xf32, #tpu.memory_space<vmem>>, vector<16xf32>,
      tpu.vector_store %arg16[%swap3A_61, %swap3A_62], %broadcast_in_dim3A_60 {strides = array<i32>} : memref<16x128xf32, #tpu.memory_space<vmem>>, vector<16xf32>,
      %broadcast_in_dim3A_64 = arith.constant 0.000000e+00 : f32
      %broadcast_in_dim3A_65 = vector.broadcast %broadcast_in_dim3A_64 : f32 to vector<16xf32>
      %swap3A_66 = arith.index_cast %add3A_40 : i32 to index
      %swap3A_67 = arith.constant 80 : index
      %swap3A_68 = tpu.vector_load %arg16[%swap3A_66, %swap3A_67] {strides = array<i32>} : memref<16x128xf32, #tpu.memory_space<vmem>>, vector<16xf32>,
      tpu.vector_store %arg16[%swap3A_66, %swap3A_67], %broadcast_in_dim3A_65 {strides = array<i32>} : memref<16x128xf32, #tpu.memory_space<vmem>>, vector<16xf32>,
      %broadcast_in_dim3A_69 = arith.constant 0.000000e+00 : f32
      %broadcast_in_dim3A_70 = vector.broadcast %broadcast_in_dim3A_69 : f32 to vector<16xf32>
      %swap3A_71 = arith.index_cast %add3A_40 : i32 to index
      %swap3A_72 = arith.constant 96 : index
      %swap3A_73 = tpu.vector_load %arg16[%swap3A_71, %swap3A_72] {strides = array<i32>} : memref<16x128xf32, #tpu.memory_space<vmem>>, vector<16xf32>,
      tpu.vector_store %arg16[%swap3A_71, %swap3A_72], %broadcast_in_dim3A_70 {strides = array<i32>} : memref<16x128xf32, #tpu.memory_space<vmem>>, vector<16xf32>,
      %broadcast_in_dim3A_74 = arith.constant 0.000000e+00 : f32
      %broadcast_in_dim3A_75 = vector.broadcast %broadcast_in_dim3A_74 : f32 to vector<16xf32>
      %swap3A_76 = arith.index_cast %add3A_40 : i32 to index
      %swap3A_77 = arith.constant 112 : index
      %swap3A_78 = tpu.vector_load %arg16[%swap3A_76, %swap3A_77] {strides = array<i32>} : memref<16x128xf32, #tpu.memory_space<vmem>>, vector<16xf32>,
      tpu.vector_store %arg16[%swap3A_76, %swap3A_77], %broadcast_in_dim3A_75 {strides = array<i32>} : memref<16x128xf32, #tpu.memory_space<vmem>>, vector<16xf32>,
    }
    %scan3A_6 = arith.constant 16 : i32
    %scan3A_7 = arith.constant 0 : i32
    %scan3A_8 = arith.constant 40 : i32
    %scan3A_9 = arith.addi %scan3A_7, %scan3A_8 : i32
    %scan3A_10 = arith.constant 1 : i32
    scf.for %scan3A_36 = %scan3A_7 to %scan3A_9 step %scan3A_10  : i32 {
      %mul3A_37 = arith.constant 1 : i32
      %mul3A_38 = arith.muli %scan3A_36, %mul3A_37 : i32
      %add3A_39 = arith.constant 0 : i32
      %add3A_40 = arith.addi %add3A_39, %mul3A_38 : i32
      %mul3A_41 = arith.constant 640 : i32
      %mul3A_42 = arith.muli %arg1, %mul3A_41 : i32
      %mul3A_43 = arith.constant 16 : i32
      %mul3A_44 = arith.muli %add3A_40, %mul3A_43 : i32
      %add3A_45 = arith.addi %mul3A_42, %mul3A_44 : i32
      "tpu.region"() ({
        %run_scoped3A = tpu.sem_alloc : memref<!tpu.dma_semaphore, #tpu.memory_space<semaphore_mem>>
        %dma_start3A = arith.constant 0 : i32
        %dma_start3A_46 = tpu.memref_slice %arg17[%add3A_45, %dma_start3A] : memref<10240x128xf32, #tpu.memory_space<vmem_shared>> -> memref<16x128xf32, #tpu.memory_space<vmem_shared>>
        %dma_start3A_47 = arith.constant 0 : i32
        %dma_start3A_48 = tpu.memref_slice %arg17[%add3A_45, %dma_start3A_47] : memref<10240x128xf32, #tpu.memory_space<vmem_shared>> -> memref<16x128xf32, #tpu.memory_space<vmem_shared>>
        tpu.enqueue_dma source(%arg16 : memref<16x128xf32, #tpu.memory_space<vmem>>) target(%dma_start3A_48 : memref<16x128xf32, #tpu.memory_space<vmem_shared>>) target_semaphore(%run_scoped3A : memref<!tpu.dma_semaphore, #tpu.memory_space<semaphore_mem>>)
        %dma_wait3A = arith.constant 0 : i32
        %dma_wait3A_49 = tpu.memref_slice %arg17[%add3A_45, %dma_wait3A] : memref<10240x128xf32, #tpu.memory_space<vmem_shared>> -> memref<16x128xf32, #tpu.memory_space<vmem_shared>>
        %dma_wait3A_50 = arith.constant 0 : i32
        %dma_wait3A_51 = tpu.memref_slice %arg17[%add3A_45, %dma_wait3A_50] : memref<10240x128xf32, #tpu.memory_space<vmem_shared>> -> memref<16x128xf32, #tpu.memory_space<vmem_shared>>
        tpu.wait_dma2 semaphore(%run_scoped3A : memref<!tpu.dma_semaphore, #tpu.memory_space<semaphore_mem>>) src(%arg16 : memref<16x128xf32, #tpu.memory_space<vmem>>) dst(%dma_wait3A_51 : memref<16x128xf32, #tpu.memory_space<vmem_shared>>)
        tpu.yield
      }) : () -> ()
    }
    %scan3A_11 = arith.constant 40 : i32
    %barrier3A = arith.constant 0 : index
    tpu.barrier barrier_id(%barrier3A)
    %scan3A_12 = arith.constant 0 : i32
    %scan3A_13 = arith.constant 250 : i32
    %scan3A_14 = arith.addi %scan3A_12, %scan3A_13 : i32
    %scan3A_15 = arith.constant 1 : i32
    scf.for %scan3A_36 = %scan3A_12 to %scan3A_14 step %scan3A_15  : i32 {
      %mul3A_37 = arith.constant 1 : i32
      %mul3A_38 = arith.muli %scan3A_36, %mul3A_37 : i32
      %add3A_39 = arith.constant 0 : i32
      %add3A_40 = arith.addi %add3A_39, %mul3A_38 : i32
      %mul3A_41 = arith.constant 40 : i32
      %mul3A_42 = arith.muli %add3A_40, %mul3A_41 : i32
      %add3A_43 = arith.addi %mul3A_2, %mul3A_42 : i32
      "tpu.region"() ({
        %run_scoped3A = tpu.sem_alloc : memref<!tpu.dma_semaphore, #tpu.memory_space<semaphore_mem>>
        %dma_start3A_61 = tpu.memref_slice %arg4[%add3A_43] : memref<320000xi32, #tpu.memory_space<hbm>> -> memref<40xi32, #tpu.memory_space<hbm>>
        %dma_start3A_62 = tpu.memref_slice %arg4[%add3A_43] : memref<320000xi32, #tpu.memory_space<hbm>> -> memref<40xi32, #tpu.memory_space<hbm>>
        tpu.enqueue_dma source(%dma_start3A_62 : memref<40xi32, #tpu.memory_space<hbm>>) target(%arg9 : memref<40xi32, #tpu.memory_space<vmem>>) target_semaphore(%run_scoped3A : memref<!tpu.dma_semaphore, #tpu.memory_space<semaphore_mem>>)
        %dma_wait3A_63 = tpu.memref_slice %arg4[%add3A_43] : memref<320000xi32, #tpu.memory_space<hbm>> -> memref<40xi32, #tpu.memory_space<hbm>>
        %dma_wait3A_64 = tpu.memref_slice %arg4[%add3A_43] : memref<320000xi32, #tpu.memory_space<hbm>> -> memref<40xi32, #tpu.memory_space<hbm>>
        tpu.wait_dma2 semaphore(%run_scoped3A : memref<!tpu.dma_semaphore, #tpu.memory_space<semaphore_mem>>) src(%dma_wait3A_64 : memref<40xi32, #tpu.memory_space<hbm>>) dst(%arg9 : memref<40xi32, #tpu.memory_space<vmem>>)
        tpu.yield
      }) : () -> ()
      "tpu.region"() ({
        %run_scoped3A = tpu.sem_alloc : memref<!tpu.dma_semaphore, #tpu.memory_space<semaphore_mem>>
        %dma_start3A_61 = tpu.memref_slice %arg5[%add3A_43] : memref<320000xi32, #tpu.memory_space<hbm>> -> memref<40xi32, #tpu.memory_space<hbm>>
        %dma_start3A_62 = tpu.memref_slice %arg5[%add3A_43] : memref<320000xi32, #tpu.memory_space<hbm>> -> memref<40xi32, #tpu.memory_space<hbm>>
        tpu.enqueue_dma source(%dma_start3A_62 : memref<40xi32, #tpu.memory_space<hbm>>) target(%arg10 : memref<40xi32, #tpu.memory_space<vmem>>) target_semaphore(%run_scoped3A : memref<!tpu.dma_semaphore, #tpu.memory_space<semaphore_mem>>)
        %dma_wait3A_63 = tpu.memref_slice %arg5[%add3A_43] : memref<320000xi32, #tpu.memory_space<hbm>> -> memref<40xi32, #tpu.memory_space<hbm>>
        %dma_wait3A_64 = tpu.memref_slice %arg5[%add3A_43] : memref<320000xi32, #tpu.memory_space<hbm>> -> memref<40xi32, #tpu.memory_space<hbm>>
        tpu.wait_dma2 semaphore(%run_scoped3A : memref<!tpu.dma_semaphore, #tpu.memory_space<semaphore_mem>>) src(%dma_wait3A_64 : memref<40xi32, #tpu.memory_space<hbm>>) dst(%arg10 : memref<40xi32, #tpu.memory_space<vmem>>)
        tpu.yield
      }) : () -> ()
      %dma_start3A = arith.constant 0 : i32
      %dma_start3A_44 = arith.constant 0 : i32
      %dma_start3A_45 = tpu.memref_slice %arg2[%dma_start3A, %dma_start3A_44] : memref<10000x256xf32, #tpu.memory_space<hbm>> -> memref<10000x256xf32, #tpu.memory_space<hbm>>
      tpu.enqueue_indirect_dma source(%dma_start3A_45 : memref<10000x256xf32, #tpu.memory_space<hbm>>) target(%arg11 : memref<40x256xf32, #tpu.memory_space<vmem>>) offsets(%arg9 : memref<40xi32, #tpu.memory_space<vmem>>) semaphore(%arg18 : memref<!tpu.dma_semaphore, #tpu.memory_space<semaphore_mem>>)
      %dma_wait3A = arith.constant 0 : i32
      %dma_wait3A_46 = arith.constant 0 : i32
      %dma_wait3A_47 = tpu.memref_slice %arg2[%dma_wait3A, %dma_wait3A_46] : memref<10000x256xf32, #tpu.memory_space<hbm>> -> memref<10000x256xf32, #tpu.memory_space<hbm>>
      tpu.wait_indirect_dma semaphore(%arg18 : memref<!tpu.dma_semaphore, #tpu.memory_space<semaphore_mem>>) src(%dma_wait3A_47 : memref<10000x256xf32, #tpu.memory_space<hbm>>) dst(%arg11 : memref<40x256xf32, #tpu.memory_space<vmem>>)
      %dma_start3A_48 = arith.constant 0 : i32
      %dma_start3A_49 = arith.constant 0 : i32
      %dma_start3A_50 = tpu.memref_slice %arg3[%dma_start3A_48, %dma_start3A_49] : memref<10000x256xf32, #tpu.memory_space<hbm>> -> memref<10000x256xf32, #tpu.memory_space<hbm>>
      tpu.enqueue_indirect_dma source(%dma_start3A_50 : memref<10000x256xf32, #tpu.memory_space<hbm>>) target(%arg12 : memref<40x256xf32, #tpu.memory_space<vmem>>) offsets(%arg10 : memref<40xi32, #tpu.memory_space<vmem>>) semaphore(%arg18 : memref<!tpu.dma_semaphore, #tpu.memory_space<semaphore_mem>>)
      %dma_wait3A_51 = arith.constant 0 : i32
      %dma_wait3A_52 = arith.constant 0 : i32
      %dma_wait3A_53 = tpu.memref_slice %arg3[%dma_wait3A_51, %dma_wait3A_52] : memref<10000x256xf32, #tpu.memory_space<hbm>> -> memref<10000x256xf32, #tpu.memory_space<hbm>>
      tpu.wait_indirect_dma semaphore(%arg18 : memref<!tpu.dma_semaphore, #tpu.memory_space<semaphore_mem>>) src(%dma_wait3A_53 : memref<10000x256xf32, #tpu.memory_space<hbm>>) dst(%arg12 : memref<40x256xf32, #tpu.memory_space<vmem>>)
      %mul3A_54 = arith.constant 4 : i32
      %mul3A_55 = arith.muli %add3A_43, %mul3A_54 : i32
      "tpu.region"() ({
        %run_scoped3A = tpu.sem_alloc : memref<!tpu.dma_semaphore, #tpu.memory_space<semaphore_mem>>
        %dma_start3A_61 = tpu.memref_slice %arg6[%mul3A_55] : memref<1280000xf32, #tpu.memory_space<hbm>> -> memref<160xf32, #tpu.memory_space<hbm>>
        %dma_start3A_62 = tpu.memref_slice %arg6[%mul3A_55] : memref<1280000xf32, #tpu.memory_space<hbm>> -> memref<160xf32, #tpu.memory_space<hbm>>
        tpu.enqueue_dma source(%dma_start3A_62 : memref<160xf32, #tpu.memory_space<hbm>>) target(%arg13 : memref<160xf32, #tpu.memory_space<vmem>>) target_semaphore(%run_scoped3A : memref<!tpu.dma_semaphore, #tpu.memory_space<semaphore_mem>>)
        %dma_wait3A_63 = tpu.memref_slice %arg6[%mul3A_55] : memref<1280000xf32, #tpu.memory_space<hbm>> -> memref<160xf32, #tpu.memory_space<hbm>>
        %dma_wait3A_64 = tpu.memref_slice %arg6[%mul3A_55] : memref<1280000xf32, #tpu.memory_space<hbm>> -> memref<160xf32, #tpu.memory_space<hbm>>
        tpu.wait_dma2 semaphore(%run_scoped3A : memref<!tpu.dma_semaphore, #tpu.memory_space<semaphore_mem>>) src(%dma_wait3A_64 : memref<160xf32, #tpu.memory_space<hbm>>) dst(%arg13 : memref<160xf32, #tpu.memory_space<vmem>>)
        tpu.yield
      }) : () -> ()
      %scan3A_56 = arith.constant 0 : i32
      %scan3A_57 = arith.constant 40 : i32
      %scan3A_58 = arith.addi %scan3A_56, %scan3A_57 : i32
      %scan3A_59 = arith.constant 1 : i32
      scf.for %scan3A_61 = %scan3A_56 to %scan3A_58 step %scan3A_59  : i32 {
        %mul3A_62 = arith.constant 1 : i32
        %mul3A_63 = arith.muli %scan3A_61, %mul3A_62 : i32
        %add3A_64 = arith.constant 0 : i32
        %add3A_65 = arith.addi %add3A_64, %mul3A_63 : i32
        %mul3A_66 = arith.constant 4 : i32
        %mul3A_67 = arith.muli %add3A_65, %mul3A_66 : i32
        %add3A_68 = arith.constant 0 : i32
        %add3A_69 = arith.addi %mul3A_67, %add3A_68 : i32
        %broadcast_in_dim3A = vector.broadcast %add3A_69 : i32 to vector<16xi32>
        %gather3A = tpu.vector_load_idx %arg13[%broadcast_in_dim3A] : memref<160xf32, #tpu.memory_space<vmem>>[vector<16xi32>], vector<16xf32>,
        %add3A_70 = arith.constant 1 : i32
        %add3A_71 = arith.addi %mul3A_67, %add3A_70 : i32
        %broadcast_in_dim3A_72 = vector.broadcast %add3A_71 : i32 to vector<16xi32>
        %gather3A_73 = tpu.vector_load_idx %arg13[%broadcast_in_dim3A_72] : memref<160xf32, #tpu.memory_space<vmem>>[vector<16xi32>], vector<16xf32>,
        %add3A_74 = arith.constant 2 : i32
        %add3A_75 = arith.addi %mul3A_67, %add3A_74 : i32
        %broadcast_in_dim3A_76 = vector.broadcast %add3A_75 : i32 to vector<16xi32>
        %gather3A_77 = tpu.vector_load_idx %arg13[%broadcast_in_dim3A_76] : memref<160xf32, #tpu.memory_space<vmem>>[vector<16xi32>], vector<16xf32>,
        %add3A_78 = arith.constant 3 : i32
        %add3A_79 = arith.addi %mul3A_67, %add3A_78 : i32
        %broadcast_in_dim3A_80 = vector.broadcast %add3A_79 : i32 to vector<16xi32>
        %gather3A_81 = tpu.vector_load_idx %arg13[%broadcast_in_dim3A_80] : memref<160xf32, #tpu.memory_space<vmem>>[vector<16xi32>], vector<16xf32>,
        %get3A = arith.index_cast %add3A_65 : i32 to index
        %get3A_82 = arith.constant 0 : index
        %get3A_83 = tpu.vector_load %arg11[%get3A, %get3A_82] {strides = array<i32>} : memref<40x256xf32, #tpu.memory_space<vmem>>, vector<16xf32>,
        %get3A_84 = arith.index_cast %add3A_65 : i32 to index
        %get3A_85 = arith.constant 0 : index
        %get3A_86 = tpu.vector_load %arg12[%get3A_84, %get3A_85] {strides = array<i32>} : memref<40x256xf32, #tpu.memory_space<vmem>>, vector<16xf32>,
        %add3A_87 = arith.addf %get3A_83, %get3A_86 : vector<16xf32>
        %get3A_88 = arith.index_cast %add3A_65 : i32 to index
        %get3A_89 = arith.constant 128 : index
        %get3A_90 = tpu.vector_load %arg11[%get3A_88, %get3A_89] {strides = array<i32>} : memref<40x256xf32, #tpu.memory_space<vmem>>, vector<16xf32>,
        %get3A_91 = arith.index_cast %add3A_65 : i32 to index
        %get3A_92 = arith.constant 128 : index
        %get3A_93 = tpu.vector_load %arg12[%get3A_91, %get3A_92] {strides = array<i32>} : memref<40x256xf32, #tpu.memory_space<vmem>>, vector<16xf32>,
        %add3A_94 = arith.addf %get3A_90, %get3A_93 : vector<16xf32>
        %get3A_95 = arith.constant 0 : i32
        %get3A_96 = arith.index_cast %get3A_95 : i32 to index
        %get3A_97 = arith.constant 0 : index
        %get3A_98 = tpu.vector_load %arg14[%get3A_96, %get3A_97] {strides = array<i32>} : memref<4x256xf32, #tpu.memory_space<vmem>>, vector<16xf32>,
        %mul3A_99 = arith.mulf %gather3A, %get3A_98 : vector<16xf32>
        %add3A_100 = arith.addf %add3A_87, %mul3A_99 : vector<16xf32>
        %get3A_101 = arith.constant 0 : i32
        %get3A_102 = arith.index_cast %get3A_101 : i32 to index
        %get3A_103 = arith.constant 128 : index
        %get3A_104 = tpu.vector_load %arg14[%get3A_102, %get3A_103] {strides = array<i32>} : memref<4x256xf32, #tpu.memory_space<vmem>>, vector<16xf32>,
        %mul3A_105 = arith.mulf %gather3A, %get3A_104 : vector<16xf32>
        %add3A_106 = arith.addf %add3A_94, %mul3A_105 : vector<16xf32>
        %get3A_107 = arith.constant 1 : i32
        %get3A_108 = arith.index_cast %get3A_107 : i32 to index
        %get3A_109 = arith.constant 0 : index
        %get3A_110 = tpu.vector_load %arg14[%get3A_108, %get3A_109] {strides = array<i32>} : memref<4x256xf32, #tpu.memory_space<vmem>>, vector<16xf32>,
        %mul3A_111 = arith.mulf %gather3A_73, %get3A_110 : vector<16xf32>
        %add3A_112 = arith.addf %add3A_100, %mul3A_111 : vector<16xf32>
        %get3A_113 = arith.constant 1 : i32
        %get3A_114 = arith.index_cast %get3A_113 : i32 to index
        %get3A_115 = arith.constant 128 : index
        %get3A_116 = tpu.vector_load %arg14[%get3A_114, %get3A_115] {strides = array<i32>} : memref<4x256xf32, #tpu.memory_space<vmem>>, vector<16xf32>,
        %mul3A_117 = arith.mulf %gather3A_73, %get3A_116 : vector<16xf32>
        %add3A_118 = arith.addf %add3A_106, %mul3A_117 : vector<16xf32>
        %get3A_119 = arith.constant 2 : i32
        %get3A_120 = arith.index_cast %get3A_119 : i32 to index
        %get3A_121 = arith.constant 0 : index
        %get3A_122 = tpu.vector_load %arg14[%get3A_120, %get3A_121] {strides = array<i32>} : memref<4x256xf32, #tpu.memory_space<vmem>>, vector<16xf32>,
        %mul3A_123 = arith.mulf %gather3A_77, %get3A_122 : vector<16xf32>
        %add3A_124 = arith.addf %add3A_112, %mul3A_123 : vector<16xf32>
        %get3A_125 = arith.constant 2 : i32
        %get3A_126 = arith.index_cast %get3A_125 : i32 to index
        %get3A_127 = arith.constant 128 : index
        %get3A_128 = tpu.vector_load %arg14[%get3A_126, %get3A_127] {strides = array<i32>} : memref<4x256xf32, #tpu.memory_space<vmem>>, vector<16xf32>,
        %mul3A_129 = arith.mulf %gather3A_77, %get3A_128 : vector<16xf32>
        %add3A_130 = arith.addf %add3A_118, %mul3A_129 : vector<16xf32>
        %get3A_131 = arith.constant 3 : i32
        %get3A_132 = arith.index_cast %get3A_131 : i32 to index
        %get3A_133 = arith.constant 0 : index
        %get3A_134 = tpu.vector_load %arg14[%get3A_132, %get3A_133] {strides = array<i32>} : memref<4x256xf32, #tpu.memory_space<vmem>>, vector<16xf32>,
        %mul3A_135 = arith.mulf %gather3A_81, %get3A_134 : vector<16xf32>
        %add3A_136 = arith.addf %add3A_124, %mul3A_135 : vector<16xf32>
        %get3A_137 = arith.constant 3 : i32
        %get3A_138 = arith.index_cast %get3A_137 : i32 to index
        %get3A_139 = arith.constant 128 : index
        %get3A_140 = tpu.vector_load %arg14[%get3A_138, %get3A_139] {strides = array<i32>} : memref<4x256xf32, #tpu.memory_space<vmem>>, vector<16xf32>,
        %mul3A_141 = arith.mulf %gather3A_81, %get3A_140 : vector<16xf32>
        %add3A_142 = arith.addf %add3A_130, %mul3A_141 : vector<16xf32>
        %abs3A = math.absf %add3A_136 : vector<16xf32>
        %neg3A = arith.constant 0.000000e+00 : f32
        %neg3A_143 = vector.broadcast %neg3A : f32 to vector<16xf32>
        %neg3A_144 = arith.subf %neg3A_143, %abs3A : vector<16xf32>
        %exp3A = math.exp %neg3A_144 : vector<16xf32>
        %add3A_145 = arith.constant 2.000000e+00 : f32
        %add3A_146 = vector.broadcast %add3A_145 : f32 to vector<16xf32>
        %add3A_147 = arith.addf %add3A_146, %exp3A : vector<16xf32>
        %div3A_148 = arith.divf %exp3A, %add3A_147 : vector<16xf32>
        %mul3A_149 = arith.mulf %div3A_148, %div3A_148 : vector<16xf32>
        %mul3A_150 = arith.constant 0.285714298 : f32
        %mul3A_151 = vector.broadcast %mul3A_150 : f32 to vector<16xf32>
        %mul3A_152 = arith.mulf %mul3A_149, %mul3A_151 : vector<16xf32>
        %add3A_153 = arith.constant 4.000000e-01 : f32
        %add3A_154 = vector.broadcast %add3A_153 : f32 to vector<16xf32>
        %add3A_155 = arith.addf %add3A_154, %mul3A_152 : vector<16xf32>
        %mul3A_156 = arith.mulf %mul3A_149, %add3A_155 : vector<16xf32>
        %add3A_157 = arith.constant 0.666666686 : f32
        %add3A_158 = vector.broadcast %add3A_157 : f32 to vector<16xf32>
        %add3A_159 = arith.addf %add3A_158, %mul3A_156 : vector<16xf32>
        %mul3A_160 = arith.mulf %mul3A_149, %add3A_159 : vector<16xf32>
        %add3A_161 = arith.constant 2.000000e+00 : f32
        %add3A_162 = vector.broadcast %add3A_161 : f32 to vector<16xf32>
        %add3A_163 = arith.addf %add3A_162, %mul3A_160 : vector<16xf32>
        %mul3A_164 = arith.mulf %div3A_148, %add3A_163 : vector<16xf32>
        %max3A = arith.constant 0.000000e+00 : f32
        %max3A_165 = vector.broadcast %max3A : f32 to vector<16xf32>
        %max3A_166 = arith.maximumf %add3A_136, %max3A_165 : vector<16xf32>
        %add3A_167 = arith.addf %max3A_166, %mul3A_164 : vector<16xf32>
        %neg3A_168 = arith.constant 0.000000e+00 : f32
        %neg3A_169 = vector.broadcast %neg3A_168 : f32 to vector<16xf32>
        %neg3A_170 = arith.subf %neg3A_169, %add3A_142 : vector<16xf32>
        %exp3A_171 = math.exp %neg3A_170 : vector<16xf32>
        %add3A_172 = arith.constant 1.000000e+00 : f32
        %add3A_173 = vector.broadcast %add3A_172 : f32 to vector<16xf32>
        %add3A_174 = arith.addf %add3A_173, %exp3A_171 : vector<16xf32>
        %div3A_175 = arith.constant 1.000000e+00 : f32
        %div3A_176 = vector.broadcast %div3A_175 : f32 to vector<16xf32>
        %div3A_177 = arith.divf %div3A_176, %add3A_174 : vector<16xf32>
        %mul3A_178 = arith.mulf %add3A_167, %div3A_177 : vector<16xf32>
        %swap3A = arith.index_cast %add3A_65 : i32 to index
        %swap3A_179 = arith.constant 0 : index
        %swap3A_180 = tpu.vector_load %arg15[%swap3A, %swap3A_179] {strides = array<i32>} : memref<40x128xf32, #tpu.memory_space<vmem>>, vector<16xf32>,
        tpu.vector_store %arg15[%swap3A, %swap3A_179], %mul3A_178 {strides = array<i32>} : memref<40x128xf32, #tpu.memory_space<vmem>>, vector<16xf32>,
        %get3A_181 = arith.index_cast %add3A_65 : i32 to index
        %get3A_182 = arith.constant 16 : index
        %get3A_183 = tpu.vector_load %arg11[%get3A_181, %get3A_182] {strides = array<i32>} : memref<40x256xf32, #tpu.memory_space<vmem>>, vector<16xf32>,
        %get3A_184 = arith.index_cast %add3A_65 : i32 to index
        %get3A_185 = arith.constant 16 : index
        %get3A_186 = tpu.vector_load %arg12[%get3A_184, %get3A_185] {strides = array<i32>} : memref<40x256xf32, #tpu.memory_space<vmem>>, vector<16xf32>,
        %add3A_187 = arith.addf %get3A_183, %get3A_186 : vector<16xf32>
        %get3A_188 = arith.index_cast %add3A_65 : i32 to index
        %get3A_189 = arith.constant 144 : index
        %get3A_190 = tpu.vector_load %arg11[%get3A_188, %get3A_189] {strides = array<i32>} : memref<40x256xf32, #tpu.memory_space<vmem>>, vector<16xf32>,
        %get3A_191 = arith.index_cast %add3A_65 : i32 to index
        %get3A_192 = arith.constant 144 : index
        %get3A_193 = tpu.vector_load %arg12[%get3A_191, %get3A_192] {strides = array<i32>} : memref<40x256xf32, #tpu.memory_space<vmem>>, vector<16xf32>,
        %add3A_194 = arith.addf %get3A_190, %get3A_193 : vector<16xf32>
        %get3A_195 = arith.constant 0 : i32
        %get3A_196 = arith.index_cast %get3A_195 : i32 to index
        %get3A_197 = arith.constant 16 : index
        %get3A_198 = tpu.vector_load %arg14[%get3A_196, %get3A_197] {strides = array<i32>} : memref<4x256xf32, #tpu.memory_space<vmem>>, vector<16xf32>,
        %mul3A_199 = arith.mulf %gather3A, %get3A_198 : vector<16xf32>
        %add3A_200 = arith.addf %add3A_187, %mul3A_199 : vector<16xf32>
        %get3A_201 = arith.constant 0 : i32
        %get3A_202 = arith.index_cast %get3A_201 : i32 to index
        %get3A_203 = arith.constant 144 : index
        %get3A_204 = tpu.vector_load %arg14[%get3A_202, %get3A_203] {strides = array<i32>} : memref<4x256xf32, #tpu.memory_space<vmem>>, vector<16xf32>,
        %mul3A_205 = arith.mulf %gather3A, %get3A_204 : vector<16xf32>
        %add3A_206 = arith.addf %add3A_194, %mul3A_205 : vector<16xf32>
        %get3A_207 = arith.constant 1 : i32
        %get3A_208 = arith.index_cast %get3A_207 : i32 to index
        %get3A_209 = arith.constant 16 : index
        %get3A_210 = tpu.vector_load %arg14[%get3A_208, %get3A_209] {strides = array<i32>} : memref<4x256xf32, #tpu.memory_space<vmem>>, vector<16xf32>,
        %mul3A_211 = arith.mulf %gather3A_73, %get3A_210 : vector<16xf32>
        %add3A_212 = arith.addf %add3A_200, %mul3A_211 : vector<16xf32>
        %get3A_213 = arith.constant 1 : i32
        %get3A_214 = arith.index_cast %get3A_213 : i32 to index
        %get3A_215 = arith.constant 144 : index
        %get3A_216 = tpu.vector_load %arg14[%get3A_214, %get3A_215] {strides = array<i32>} : memref<4x256xf32, #tpu.memory_space<vmem>>, vector<16xf32>,
        %mul3A_217 = arith.mulf %gather3A_73, %get3A_216 : vector<16xf32>
        %add3A_218 = arith.addf %add3A_206, %mul3A_217 : vector<16xf32>
        %get3A_219 = arith.constant 2 : i32
        %get3A_220 = arith.index_cast %get3A_219 : i32 to index
        %get3A_221 = arith.constant 16 : index
        %get3A_222 = tpu.vector_load %arg14[%get3A_220, %get3A_221] {strides = array<i32>} : memref<4x256xf32, #tpu.memory_space<vmem>>, vector<16xf32>,
        %mul3A_223 = arith.mulf %gather3A_77, %get3A_222 : vector<16xf32>
        %add3A_224 = arith.addf %add3A_212, %mul3A_223 : vector<16xf32>
        %get3A_225 = arith.constant 2 : i32
        %get3A_226 = arith.index_cast %get3A_225 : i32 to index
        %get3A_227 = arith.constant 144 : index
        %get3A_228 = tpu.vector_load %arg14[%get3A_226, %get3A_227] {strides = array<i32>} : memref<4x256xf32, #tpu.memory_space<vmem>>, vector<16xf32>,
        %mul3A_229 = arith.mulf %gather3A_77, %get3A_228 : vector<16xf32>
        %add3A_230 = arith.addf %add3A_218, %mul3A_229 : vector<16xf32>
        %get3A_231 = arith.constant 3 : i32
        %get3A_232 = arith.index_cast %get3A_231 : i32 to index
        %get3A_233 = arith.constant 16 : index
        %get3A_234 = tpu.vector_load %arg14[%get3A_232, %get3A_233] {strides = array<i32>} : memref<4x256xf32, #tpu.memory_space<vmem>>, vector<16xf32>,
        %mul3A_235 = arith.mulf %gather3A_81, %get3A_234 : vector<16xf32>
        %add3A_236 = arith.addf %add3A_224, %mul3A_235 : vector<16xf32>
        %get3A_237 = arith.constant 3 : i32
        %get3A_238 = arith.index_cast %get3A_237 : i32 to index
        %get3A_239 = arith.constant 144 : index
        %get3A_240 = tpu.vector_load %arg14[%get3A_238, %get3A_239] {strides = array<i32>} : memref<4x256xf32, #tpu.memory_space<vmem>>, vector<16xf32>,
        %mul3A_241 = arith.mulf %gather3A_81, %get3A_240 : vector<16xf32>
        %add3A_242 = arith.addf %add3A_230, %mul3A_241 : vector<16xf32>
        %abs3A_243 = math.absf %add3A_236 : vector<16xf32>
        %neg3A_244 = arith.constant 0.000000e+00 : f32
        %neg3A_245 = vector.broadcast %neg3A_244 : f32 to vector<16xf32>
        %neg3A_246 = arith.subf %neg3A_245, %abs3A_243 : vector<16xf32>
        %exp3A_247 = math.exp %neg3A_246 : vector<16xf32>
        %add3A_248 = arith.constant 2.000000e+00 : f32
        %add3A_249 = vector.broadcast %add3A_248 : f32 to vector<16xf32>
        %add3A_250 = arith.addf %add3A_249, %exp3A_247 : vector<16xf32>
        %div3A_251 = arith.divf %exp3A_247, %add3A_250 : vector<16xf32>
        %mul3A_252 = arith.mulf %div3A_251, %div3A_251 : vector<16xf32>
        %mul3A_253 = arith.constant 0.285714298 : f32
        %mul3A_254 = vector.broadcast %mul3A_253 : f32 to vector<16xf32>
        %mul3A_255 = arith.mulf %mul3A_252, %mul3A_254 : vector<16xf32>
        %add3A_256 = arith.constant 4.000000e-01 : f32
        %add3A_257 = vector.broadcast %add3A_256 : f32 to vector<16xf32>
        %add3A_258 = arith.addf %add3A_257, %mul3A_255 : vector<16xf32>
        %mul3A_259 = arith.mulf %mul3A_252, %add3A_258 : vector<16xf32>
        %add3A_260 = arith.constant 0.666666686 : f32
        %add3A_261 = vector.broadcast %add3A_260 : f32 to vector<16xf32>
        %add3A_262 = arith.addf %add3A_261, %mul3A_259 : vector<16xf32>
        %mul3A_263 = arith.mulf %mul3A_252, %add3A_262 : vector<16xf32>
        %add3A_264 = arith.constant 2.000000e+00 : f32
        %add3A_265 = vector.broadcast %add3A_264 : f32 to vector<16xf32>
        %add3A_266 = arith.addf %add3A_265, %mul3A_263 : vector<16xf32>
        %mul3A_267 = arith.mulf %div3A_251, %add3A_266 : vector<16xf32>
        %max3A_268 = arith.constant 0.000000e+00 : f32
        %max3A_269 = vector.broadcast %max3A_268 : f32 to vector<16xf32>
        %max3A_270 = arith.maximumf %add3A_236, %max3A_269 : vector<16xf32>
        %add3A_271 = arith.addf %max3A_270, %mul3A_267 : vector<16xf32>
        %neg3A_272 = arith.constant 0.000000e+00 : f32
        %neg3A_273 = vector.broadcast %neg3A_272 : f32 to vector<16xf32>
        %neg3A_274 = arith.subf %neg3A_273, %add3A_242 : vector<16xf32>
        %exp3A_275 = math.exp %neg3A_274 : vector<16xf32>
        %add3A_276 = arith.constant 1.000000e+00 : f32
        %add3A_277 = vector.broadcast %add3A_276 : f32 to vector<16xf32>
        %add3A_278 = arith.addf %add3A_277, %exp3A_275 : vector<16xf32>
        %div3A_279 = arith.constant 1.000000e+00 : f32
        %div3A_280 = vector.broadcast %div3A_279 : f32 to vector<16xf32>
        %div3A_281 = arith.divf %div3A_280, %add3A_278 : vector<16xf32>
        %mul3A_282 = arith.mulf %add3A_271, %div3A_281 : vector<16xf32>
        %swap3A_283 = arith.index_cast %add3A_65 : i32 to index
        %swap3A_284 = arith.constant 16 : index
        %swap3A_285 = tpu.vector_load %arg15[%swap3A_283, %swap3A_284] {strides = array<i32>} : memref<40x128xf32, #tpu.memory_space<vmem>>, vector<16xf32>,
        tpu.vector_store %arg15[%swap3A_283, %swap3A_284], %mul3A_282 {strides = array<i32>} : memref<40x128xf32, #tpu.memory_space<vmem>>, vector<16xf32>,
        %get3A_286 = arith.index_cast %add3A_65 : i32 to index
        %get3A_287 = arith.constant 32 : index
        %get3A_288 = tpu.vector_load %arg11[%get3A_286, %get3A_287] {strides = array<i32>} : memref<40x256xf32, #tpu.memory_space<vmem>>, vector<16xf32>,
        %get3A_289 = arith.index_cast %add3A_65 : i32 to index
        %get3A_290 = arith.constant 32 : index
        %get3A_291 = tpu.vector_load %arg12[%get3A_289, %get3A_290] {strides = array<i32>} : memref<40x256xf32, #tpu.memory_space<vmem>>, vector<16xf32>,
        %add3A_292 = arith.addf %get3A_288, %get3A_291 : vector<16xf32>
        %get3A_293 = arith.index_cast %add3A_65 : i32 to index
        %get3A_294 = arith.constant 160 : index
        %get3A_295 = tpu.vector_load %arg11[%get3A_293, %get3A_294] {strides = array<i32>} : memref<40x256xf32, #tpu.memory_space<vmem>>, vector<16xf32>,
        %get3A_296 = arith.index_cast %add3A_65 : i32 to index
        %get3A_297 = arith.constant 160 : index
        %get3A_298 = tpu.vector_load %arg12[%get3A_296, %get3A_297] {strides = array<i32>} : memref<40x256xf32, #tpu.memory_space<vmem>>, vector<16xf32>,
        %add3A_299 = arith.addf %get3A_295, %get3A_298 : vector<16xf32>
        %get3A_300 = arith.constant 0 : i32
        %get3A_301 = arith.index_cast %get3A_300 : i32 to index
        %get3A_302 = arith.constant 32 : index
        %get3A_303 = tpu.vector_load %arg14[%get3A_301, %get3A_302] {strides = array<i32>} : memref<4x256xf32, #tpu.memory_space<vmem>>, vector<16xf32>,
        %mul3A_304 = arith.mulf %gather3A, %get3A_303 : vector<16xf32>
        %add3A_305 = arith.addf %add3A_292, %mul3A_304 : vector<16xf32>
        %get3A_306 = arith.constant 0 : i32
        %get3A_307 = arith.index_cast %get3A_306 : i32 to index
        %get3A_308 = arith.constant 160 : index
        %get3A_309 = tpu.vector_load %arg14[%get3A_307, %get3A_308] {strides = array<i32>} : memref<4x256xf32, #tpu.memory_space<vmem>>, vector<16xf32>,
        %mul3A_310 = arith.mulf %gather3A, %get3A_309 : vector<16xf32>
        %add3A_311 = arith.addf %add3A_299, %mul3A_310 : vector<16xf32>
        %get3A_312 = arith.constant 1 : i32
        %get3A_313 = arith.index_cast %get3A_312 : i32 to index
        %get3A_314 = arith.constant 32 : index
        %get3A_315 = tpu.vector_load %arg14[%get3A_313, %get3A_314] {strides = array<i32>} : memref<4x256xf32, #tpu.memory_space<vmem>>, vector<16xf32>,
        %mul3A_316 = arith.mulf %gather3A_73, %get3A_315 : vector<16xf32>
        %add3A_317 = arith.addf %add3A_305, %mul3A_316 : vector<16xf32>
        %get3A_318 = arith.constant 1 : i32
        %get3A_319 = arith.index_cast %get3A_318 : i32 to index
        %get3A_320 = arith.constant 160 : index
        %get3A_321 = tpu.vector_load %arg14[%get3A_319, %get3A_320] {strides = array<i32>} : memref<4x256xf32, #tpu.memory_space<vmem>>, vector<16xf32>,
        %mul3A_322 = arith.mulf %gather3A_73, %get3A_321 : vector<16xf32>
        %add3A_323 = arith.addf %add3A_311, %mul3A_322 : vector<16xf32>
        %get3A_324 = arith.constant 2 : i32
        %get3A_325 = arith.index_cast %get3A_324 : i32 to index
        %get3A_326 = arith.constant 32 : index
        %get3A_327 = tpu.vector_load %arg14[%get3A_325, %get3A_326] {strides = array<i32>} : memref<4x256xf32, #tpu.memory_space<vmem>>, vector<16xf32>,
        %mul3A_328 = arith.mulf %gather3A_77, %get3A_327 : vector<16xf32>
        %add3A_329 = arith.addf %add3A_317, %mul3A_328 : vector<16xf32>
        %get3A_330 = arith.constant 2 : i32
        %get3A_331 = arith.index_cast %get3A_330 : i32 to index
        %get3A_332 = arith.constant 160 : index
        %get3A_333 = tpu.vector_load %arg14[%get3A_331, %get3A_332] {strides = array<i32>} : memref<4x256xf32, #tpu.memory_space<vmem>>, vector<16xf32>,
        %mul3A_334 = arith.mulf %gather3A_77, %get3A_333 : vector<16xf32>
        %add3A_335 = arith.addf %add3A_323, %mul3A_334 : vector<16xf32>
        %get3A_336 = arith.constant 3 : i32
        %get3A_337 = arith.index_cast %get3A_336 : i32 to index
        %get3A_338 = arith.constant 32 : index
        %get3A_339 = tpu.vector_load %arg14[%get3A_337, %get3A_338] {strides = array<i32>} : memref<4x256xf32, #tpu.memory_space<vmem>>, vector<16xf32>,
        %mul3A_340 = arith.mulf %gather3A_81, %get3A_339 : vector<16xf32>
        %add3A_341 = arith.addf %add3A_329, %mul3A_340 : vector<16xf32>
        %get3A_342 = arith.constant 3 : i32
        %get3A_343 = arith.index_cast %get3A_342 : i32 to index
        %get3A_344 = arith.constant 160 : index
        %get3A_345 = tpu.vector_load %arg14[%get3A_343, %get3A_344] {strides = array<i32>} : memref<4x256xf32, #tpu.memory_space<vmem>>, vector<16xf32>,
        %mul3A_346 = arith.mulf %gather3A_81, %get3A_345 : vector<16xf32>
        %add3A_347 = arith.addf %add3A_335, %mul3A_346 : vector<16xf32>
        %abs3A_348 = math.absf %add3A_341 : vector<16xf32>
        %neg3A_349 = arith.constant 0.000000e+00 : f32
        %neg3A_350 = vector.broadcast %neg3A_349 : f32 to vector<16xf32>
        %neg3A_351 = arith.subf %neg3A_350, %abs3A_348 : vector<16xf32>
        %exp3A_352 = math.exp %neg3A_351 : vector<16xf32>
        %add3A_353 = arith.constant 2.000000e+00 : f32
        %add3A_354 = vector.broadcast %add3A_353 : f32 to vector<16xf32>
        %add3A_355 = arith.addf %add3A_354, %exp3A_352 : vector<16xf32>
        %div3A_356 = arith.divf %exp3A_352, %add3A_355 : vector<16xf32>
        %mul3A_357 = arith.mulf %div3A_356, %div3A_356 : vector<16xf32>
        %mul3A_358 = arith.constant 0.285714298 : f32
        %mul3A_359 = vector.broadcast %mul3A_358 : f32 to vector<16xf32>
        %mul3A_360 = arith.mulf %mul3A_357, %mul3A_359 : vector<16xf32>
        %add3A_361 = arith.constant 4.000000e-01 : f32
        %add3A_362 = vector.broadcast %add3A_361 : f32 to vector<16xf32>
        %add3A_363 = arith.addf %add3A_362, %mul3A_360 : vector<16xf32>
        %mul3A_364 = arith.mulf %mul3A_357, %add3A_363 : vector<16xf32>
        %add3A_365 = arith.constant 0.666666686 : f32
        %add3A_366 = vector.broadcast %add3A_365 : f32 to vector<16xf32>
        %add3A_367 = arith.addf %add3A_366, %mul3A_364 : vector<16xf32>
        %mul3A_368 = arith.mulf %mul3A_357, %add3A_367 : vector<16xf32>
        %add3A_369 = arith.constant 2.000000e+00 : f32
        %add3A_370 = vector.broadcast %add3A_369 : f32 to vector<16xf32>
        %add3A_371 = arith.addf %add3A_370, %mul3A_368 : vector<16xf32>
        %mul3A_372 = arith.mulf %div3A_356, %add3A_371 : vector<16xf32>
        %max3A_373 = arith.constant 0.000000e+00 : f32
        %max3A_374 = vector.broadcast %max3A_373 : f32 to vector<16xf32>
        %max3A_375 = arith.maximumf %add3A_341, %max3A_374 : vector<16xf32>
        %add3A_376 = arith.addf %max3A_375, %mul3A_372 : vector<16xf32>
        %neg3A_377 = arith.constant 0.000000e+00 : f32
        %neg3A_378 = vector.broadcast %neg3A_377 : f32 to vector<16xf32>
        %neg3A_379 = arith.subf %neg3A_378, %add3A_347 : vector<16xf32>
        %exp3A_380 = math.exp %neg3A_379 : vector<16xf32>
        %add3A_381 = arith.constant 1.000000e+00 : f32
        %add3A_382 = vector.broadcast %add3A_381 : f32 to vector<16xf32>
        %add3A_383 = arith.addf %add3A_382, %exp3A_380 : vector<16xf32>
        %div3A_384 = arith.constant 1.000000e+00 : f32
        %div3A_385 = vector.broadcast %div3A_384 : f32 to vector<16xf32>
        %div3A_386 = arith.divf %div3A_385, %add3A_383 : vector<16xf32>
        %mul3A_387 = arith.mulf %add3A_376, %div3A_386 : vector<16xf32>
        %swap3A_388 = arith.index_cast %add3A_65 : i32 to index
        %swap3A_389 = arith.constant 32 : index
        %swap3A_390 = tpu.vector_load %arg15[%swap3A_388, %swap3A_389] {strides = array<i32>} : memref<40x128xf32, #tpu.memory_space<vmem>>, vector<16xf32>,
        tpu.vector_store %arg15[%swap3A_388, %swap3A_389], %mul3A_387 {strides = array<i32>} : memref<40x128xf32, #tpu.memory_space<vmem>>, vector<16xf32>,
        %get3A_391 = arith.index_cast %add3A_65 : i32 to index
        %get3A_392 = arith.constant 48 : index
        %get3A_393 = tpu.vector_load %arg11[%get3A_391, %get3A_392] {strides = array<i32>} : memref<40x256xf32, #tpu.memory_space<vmem>>, vector<16xf32>,
        %get3A_394 = arith.index_cast %add3A_65 : i32 to index
        %get3A_395 = arith.constant 48 : index
        %get3A_396 = tpu.vector_load %arg12[%get3A_394, %get3A_395] {strides = array<i32>} : memref<40x256xf32, #tpu.memory_space<vmem>>, vector<16xf32>,
        %add3A_397 = arith.addf %get3A_393, %get3A_396 : vector<16xf32>
        %get3A_398 = arith.index_cast %add3A_65 : i32 to index
        %get3A_399 = arith.constant 176 : index
        %get3A_400 = tpu.vector_load %arg11[%get3A_398, %get3A_399] {strides = array<i32>} : memref<40x256xf32, #tpu.memory_space<vmem>>, vector<16xf32>,
        %get3A_401 = arith.index_cast %add3A_65 : i32 to index
        %get3A_402 = arith.constant 176 : index
        %get3A_403 = tpu.vector_load %arg12[%get3A_401, %get3A_402] {strides = array<i32>} : memref<40x256xf32, #tpu.memory_space<vmem>>, vector<16xf32>,
        %add3A_404 = arith.addf %get3A_400, %get3A_403 : vector<16xf32>
        %get3A_405 = arith.constant 0 : i32
        %get3A_406 = arith.index_cast %get3A_405 : i32 to index
        %get3A_407 = arith.constant 48 : index
        %get3A_408 = tpu.vector_load %arg14[%get3A_406, %get3A_407] {strides = array<i32>} : memref<4x256xf32, #tpu.memory_space<vmem>>, vector<16xf32>,
        %mul3A_409 = arith.mulf %gather3A, %get3A_408 : vector<16xf32>
        %add3A_410 = arith.addf %add3A_397, %mul3A_409 : vector<16xf32>
        %get3A_411 = arith.constant 0 : i32
        %get3A_412 = arith.index_cast %get3A_411 : i32 to index
        %get3A_413 = arith.constant 176 : index
        %get3A_414 = tpu.vector_load %arg14[%get3A_412, %get3A_413] {strides = array<i32>} : memref<4x256xf32, #tpu.memory_space<vmem>>, vector<16xf32>,
        %mul3A_415 = arith.mulf %gather3A, %get3A_414 : vector<16xf32>
        %add3A_416 = arith.addf %add3A_404, %mul3A_415 : vector<16xf32>
        %get3A_417 = arith.constant 1 : i32
        %get3A_418 = arith.index_cast %get3A_417 : i32 to index
        %get3A_419 = arith.constant 48 : index
        %get3A_420 = tpu.vector_load %arg14[%get3A_418, %get3A_419] {strides = array<i32>} : memref<4x256xf32, #tpu.memory_space<vmem>>, vector<16xf32>,
        %mul3A_421 = arith.mulf %gather3A_73, %get3A_420 : vector<16xf32>
        %add3A_422 = arith.addf %add3A_410, %mul3A_421 : vector<16xf32>
        %get3A_423 = arith.constant 1 : i32
        %get3A_424 = arith.index_cast %get3A_423 : i32 to index
        %get3A_425 = arith.constant 176 : index
        %get3A_426 = tpu.vector_load %arg14[%get3A_424, %get3A_425] {strides = array<i32>} : memref<4x256xf32, #tpu.memory_space<vmem>>, vector<16xf32>,
        %mul3A_427 = arith.mulf %gather3A_73, %get3A_426 : vector<16xf32>
        %add3A_428 = arith.addf %add3A_416, %mul3A_427 : vector<16xf32>
        %get3A_429 = arith.constant 2 : i32
        %get3A_430 = arith.index_cast %get3A_429 : i32 to index
        %get3A_431 = arith.constant 48 : index
        %get3A_432 = tpu.vector_load %arg14[%get3A_430, %get3A_431] {strides = array<i32>} : memref<4x256xf32, #tpu.memory_space<vmem>>, vector<16xf32>,
        %mul3A_433 = arith.mulf %gather3A_77, %get3A_432 : vector<16xf32>
        %add3A_434 = arith.addf %add3A_422, %mul3A_433 : vector<16xf32>
        %get3A_435 = arith.constant 2 : i32
        %get3A_436 = arith.index_cast %get3A_435 : i32 to index
        %get3A_437 = arith.constant 176 : index
        %get3A_438 = tpu.vector_load %arg14[%get3A_436, %get3A_437] {strides = array<i32>} : memref<4x256xf32, #tpu.memory_space<vmem>>, vector<16xf32>,
        %mul3A_439 = arith.mulf %gather3A_77, %get3A_438 : vector<16xf32>
        %add3A_440 = arith.addf %add3A_428, %mul3A_439 : vector<16xf32>
        %get3A_441 = arith.constant 3 : i32
        %get3A_442 = arith.index_cast %get3A_441 : i32 to index
        %get3A_443 = arith.constant 48 : index
        %get3A_444 = tpu.vector_load %arg14[%get3A_442, %get3A_443] {strides = array<i32>} : memref<4x256xf32, #tpu.memory_space<vmem>>, vector<16xf32>,
        %mul3A_445 = arith.mulf %gather3A_81, %get3A_444 : vector<16xf32>
        %add3A_446 = arith.addf %add3A_434, %mul3A_445 : vector<16xf32>
        %get3A_447 = arith.constant 3 : i32
        %get3A_448 = arith.index_cast %get3A_447 : i32 to index
        %get3A_449 = arith.constant 176 : index
        %get3A_450 = tpu.vector_load %arg14[%get3A_448, %get3A_449] {strides = array<i32>} : memref<4x256xf32, #tpu.memory_space<vmem>>, vector<16xf32>,
        %mul3A_451 = arith.mulf %gather3A_81, %get3A_450 : vector<16xf32>
        %add3A_452 = arith.addf %add3A_440, %mul3A_451 : vector<16xf32>
        %abs3A_453 = math.absf %add3A_446 : vector<16xf32>
        %neg3A_454 = arith.constant 0.000000e+00 : f32
        %neg3A_455 = vector.broadcast %neg3A_454 : f32 to vector<16xf32>
        %neg3A_456 = arith.subf %neg3A_455, %abs3A_453 : vector<16xf32>
        %exp3A_457 = math.exp %neg3A_456 : vector<16xf32>
        %add3A_458 = arith.constant 2.000000e+00 : f32
        %add3A_459 = vector.broadcast %add3A_458 : f32 to vector<16xf32>
        %add3A_460 = arith.addf %add3A_459, %exp3A_457 : vector<16xf32>
        %div3A_461 = arith.divf %exp3A_457, %add3A_460 : vector<16xf32>
        %mul3A_462 = arith.mulf %div3A_461, %div3A_461 : vector<16xf32>
        %mul3A_463 = arith.constant 0.285714298 : f32
        %mul3A_464 = vector.broadcast %mul3A_463 : f32 to vector<16xf32>
        %mul3A_465 = arith.mulf %mul3A_462, %mul3A_464 : vector<16xf32>
        %add3A_466 = arith.constant 4.000000e-01 : f32
        %add3A_467 = vector.broadcast %add3A_466 : f32 to vector<16xf32>
        %add3A_468 = arith.addf %add3A_467, %mul3A_465 : vector<16xf32>
        %mul3A_469 = arith.mulf %mul3A_462, %add3A_468 : vector<16xf32>
        %add3A_470 = arith.constant 0.666666686 : f32
        %add3A_471 = vector.broadcast %add3A_470 : f32 to vector<16xf32>
        %add3A_472 = arith.addf %add3A_471, %mul3A_469 : vector<16xf32>
        %mul3A_473 = arith.mulf %mul3A_462, %add3A_472 : vector<16xf32>
        %add3A_474 = arith.constant 2.000000e+00 : f32
        %add3A_475 = vector.broadcast %add3A_474 : f32 to vector<16xf32>
        %add3A_476 = arith.addf %add3A_475, %mul3A_473 : vector<16xf32>
        %mul3A_477 = arith.mulf %div3A_461, %add3A_476 : vector<16xf32>
        %max3A_478 = arith.constant 0.000000e+00 : f32
        %max3A_479 = vector.broadcast %max3A_478 : f32 to vector<16xf32>
        %max3A_480 = arith.maximumf %add3A_446, %max3A_479 : vector<16xf32>
        %add3A_481 = arith.addf %max3A_480, %mul3A_477 : vector<16xf32>
        %neg3A_482 = arith.constant 0.000000e+00 : f32
        %neg3A_483 = vector.broadcast %neg3A_482 : f32 to vector<16xf32>
        %neg3A_484 = arith.subf %neg3A_483, %add3A_452 : vector<16xf32>
        %exp3A_485 = math.exp %neg3A_484 : vector<16xf32>
        %add3A_486 = arith.constant 1.000000e+00 : f32
        %add3A_487 = vector.broadcast %add3A_486 : f32 to vector<16xf32>
        %add3A_488 = arith.addf %add3A_487, %exp3A_485 : vector<16xf32>
        %div3A_489 = arith.constant 1.000000e+00 : f32
        %div3A_490 = vector.broadcast %div3A_489 : f32 to vector<16xf32>
        %div3A_491 = arith.divf %div3A_490, %add3A_488 : vector<16xf32>
        %mul3A_492 = arith.mulf %add3A_481, %div3A_491 : vector<16xf32>
        %swap3A_493 = arith.index_cast %add3A_65 : i32 to index
        %swap3A_494 = arith.constant 48 : index
        %swap3A_495 = tpu.vector_load %arg15[%swap3A_493, %swap3A_494] {strides = array<i32>} : memref<40x128xf32, #tpu.memory_space<vmem>>, vector<16xf32>,
        tpu.vector_store %arg15[%swap3A_493, %swap3A_494], %mul3A_492 {strides = array<i32>} : memref<40x128xf32, #tpu.memory_space<vmem>>, vector<16xf32>,
        %get3A_496 = arith.index_cast %add3A_65 : i32 to index
        %get3A_497 = arith.constant 64 : index
        %get3A_498 = tpu.vector_load %arg11[%get3A_496, %get3A_497] {strides = array<i32>} : memref<40x256xf32, #tpu.memory_space<vmem>>, vector<16xf32>,
        %get3A_499 = arith.index_cast %add3A_65 : i32 to index
        %get3A_500 = arith.constant 64 : index
        %get3A_501 = tpu.vector_load %arg12[%get3A_499, %get3A_500] {strides = array<i32>} : memref<40x256xf32, #tpu.memory_space<vmem>>, vector<16xf32>,
        %add3A_502 = arith.addf %get3A_498, %get3A_501 : vector<16xf32>
        %get3A_503 = arith.index_cast %add3A_65 : i32 to index
        %get3A_504 = arith.constant 192 : index
        %get3A_505 = tpu.vector_load %arg11[%get3A_503, %get3A_504] {strides = array<i32>} : memref<40x256xf32, #tpu.memory_space<vmem>>, vector<16xf32>,
        %get3A_506 = arith.index_cast %add3A_65 : i32 to index
        %get3A_507 = arith.constant 192 : index
        %get3A_508 = tpu.vector_load %arg12[%get3A_506, %get3A_507] {strides = array<i32>} : memref<40x256xf32, #tpu.memory_space<vmem>>, vector<16xf32>,
        %add3A_509 = arith.addf %get3A_505, %get3A_508 : vector<16xf32>
        %get3A_510 = arith.constant 0 : i32
        %get3A_511 = arith.index_cast %get3A_510 : i32 to index
        %get3A_512 = arith.constant 64 : index
        %get3A_513 = tpu.vector_load %arg14[%get3A_511, %get3A_512] {strides = array<i32>} : memref<4x256xf32, #tpu.memory_space<vmem>>, vector<16xf32>,
        %mul3A_514 = arith.mulf %gather3A, %get3A_513 : vector<16xf32>
        %add3A_515 = arith.addf %add3A_502, %mul3A_514 : vector<16xf32>
        %get3A_516 = arith.constant 0 : i32
        %get3A_517 = arith.index_cast %get3A_516 : i32 to index
        %get3A_518 = arith.constant 192 : index
        %get3A_519 = tpu.vector_load %arg14[%get3A_517, %get3A_518] {strides = array<i32>} : memref<4x256xf32, #tpu.memory_space<vmem>>, vector<16xf32>,
        %mul3A_520 = arith.mulf %gather3A, %get3A_519 : vector<16xf32>
        %add3A_521 = arith.addf %add3A_509, %mul3A_520 : vector<16xf32>
        %get3A_522 = arith.constant 1 : i32
        %get3A_523 = arith.index_cast %get3A_522 : i32 to index
        %get3A_524 = arith.constant 64 : index
        %get3A_525 = tpu.vector_load %arg14[%get3A_523, %get3A_524] {strides = array<i32>} : memref<4x256xf32, #tpu.memory_space<vmem>>, vector<16xf32>,
        %mul3A_526 = arith.mulf %gather3A_73, %get3A_525 : vector<16xf32>
        %add3A_527 = arith.addf %add3A_515, %mul3A_526 : vector<16xf32>
        %get3A_528 = arith.constant 1 : i32
        %get3A_529 = arith.index_cast %get3A_528 : i32 to index
        %get3A_530 = arith.constant 192 : index
        %get3A_531 = tpu.vector_load %arg14[%get3A_529, %get3A_530] {strides = array<i32>} : memref<4x256xf32, #tpu.memory_space<vmem>>, vector<16xf32>,
        %mul3A_532 = arith.mulf %gather3A_73, %get3A_531 : vector<16xf32>
        %add3A_533 = arith.addf %add3A_521, %mul3A_532 : vector<16xf32>
        %get3A_534 = arith.constant 2 : i32
        %get3A_535 = arith.index_cast %get3A_534 : i32 to index
        %get3A_536 = arith.constant 64 : index
        %get3A_537 = tpu.vector_load %arg14[%get3A_535, %get3A_536] {strides = array<i32>} : memref<4x256xf32, #tpu.memory_space<vmem>>, vector<16xf32>,
        %mul3A_538 = arith.mulf %gather3A_77, %get3A_537 : vector<16xf32>
        %add3A_539 = arith.addf %add3A_527, %mul3A_538 : vector<16xf32>
        %get3A_540 = arith.constant 2 : i32
        %get3A_541 = arith.index_cast %get3A_540 : i32 to index
        %get3A_542 = arith.constant 192 : index
        %get3A_543 = tpu.vector_load %arg14[%get3A_541, %get3A_542] {strides = array<i32>} : memref<4x256xf32, #tpu.memory_space<vmem>>, vector<16xf32>,
        %mul3A_544 = arith.mulf %gather3A_77, %get3A_543 : vector<16xf32>
        %add3A_545 = arith.addf %add3A_533, %mul3A_544 : vector<16xf32>
        %get3A_546 = arith.constant 3 : i32
        %get3A_547 = arith.index_cast %get3A_546 : i32 to index
        %get3A_548 = arith.constant 64 : index
        %get3A_549 = tpu.vector_load %arg14[%get3A_547, %get3A_548] {strides = array<i32>} : memref<4x256xf32, #tpu.memory_space<vmem>>, vector<16xf32>,
        %mul3A_550 = arith.mulf %gather3A_81, %get3A_549 : vector<16xf32>
        %add3A_551 = arith.addf %add3A_539, %mul3A_550 : vector<16xf32>
        %get3A_552 = arith.constant 3 : i32
        %get3A_553 = arith.index_cast %get3A_552 : i32 to index
        %get3A_554 = arith.constant 192 : index
        %get3A_555 = tpu.vector_load %arg14[%get3A_553, %get3A_554] {strides = array<i32>} : memref<4x256xf32, #tpu.memory_space<vmem>>, vector<16xf32>,
        %mul3A_556 = arith.mulf %gather3A_81, %get3A_555 : vector<16xf32>
        %add3A_557 = arith.addf %add3A_545, %mul3A_556 : vector<16xf32>
        %abs3A_558 = math.absf %add3A_551 : vector<16xf32>
        %neg3A_559 = arith.constant 0.000000e+00 : f32
        %neg3A_560 = vector.broadcast %neg3A_559 : f32 to vector<16xf32>
        %neg3A_561 = arith.subf %neg3A_560, %abs3A_558 : vector<16xf32>
        %exp3A_562 = math.exp %neg3A_561 : vector<16xf32>
        %add3A_563 = arith.constant 2.000000e+00 : f32
        %add3A_564 = vector.broadcast %add3A_563 : f32 to vector<16xf32>
        %add3A_565 = arith.addf %add3A_564, %exp3A_562 : vector<16xf32>
        %div3A_566 = arith.divf %exp3A_562, %add3A_565 : vector<16xf32>
        %mul3A_567 = arith.mulf %div3A_566, %div3A_566 : vector<16xf32>
        %mul3A_568 = arith.constant 0.285714298 : f32
        %mul3A_569 = vector.broadcast %mul3A_568 : f32 to vector<16xf32>
        %mul3A_570 = arith.mulf %mul3A_567, %mul3A_569 : vector<16xf32>
        %add3A_571 = arith.constant 4.000000e-01 : f32
        %add3A_572 = vector.broadcast %add3A_571 : f32 to vector<16xf32>
        %add3A_573 = arith.addf %add3A_572, %mul3A_570 : vector<16xf32>
        %mul3A_574 = arith.mulf %mul3A_567, %add3A_573 : vector<16xf32>
        %add3A_575 = arith.constant 0.666666686 : f32
        %add3A_576 = vector.broadcast %add3A_575 : f32 to vector<16xf32>
        %add3A_577 = arith.addf %add3A_576, %mul3A_574 : vector<16xf32>
        %mul3A_578 = arith.mulf %mul3A_567, %add3A_577 : vector<16xf32>
        %add3A_579 = arith.constant 2.000000e+00 : f32
        %add3A_580 = vector.broadcast %add3A_579 : f32 to vector<16xf32>
        %add3A_581 = arith.addf %add3A_580, %mul3A_578 : vector<16xf32>
        %mul3A_582 = arith.mulf %div3A_566, %add3A_581 : vector<16xf32>
        %max3A_583 = arith.constant 0.000000e+00 : f32
        %max3A_584 = vector.broadcast %max3A_583 : f32 to vector<16xf32>
        %max3A_585 = arith.maximumf %add3A_551, %max3A_584 : vector<16xf32>
        %add3A_586 = arith.addf %max3A_585, %mul3A_582 : vector<16xf32>
        %neg3A_587 = arith.constant 0.000000e+00 : f32
        %neg3A_588 = vector.broadcast %neg3A_587 : f32 to vector<16xf32>
        %neg3A_589 = arith.subf %neg3A_588, %add3A_557 : vector<16xf32>
        %exp3A_590 = math.exp %neg3A_589 : vector<16xf32>
        %add3A_591 = arith.constant 1.000000e+00 : f32
        %add3A_592 = vector.broadcast %add3A_591 : f32 to vector<16xf32>
        %add3A_593 = arith.addf %add3A_592, %exp3A_590 : vector<16xf32>
        %div3A_594 = arith.constant 1.000000e+00 : f32
        %div3A_595 = vector.broadcast %div3A_594 : f32 to vector<16xf32>
        %div3A_596 = arith.divf %div3A_595, %add3A_593 : vector<16xf32>
        %mul3A_597 = arith.mulf %add3A_586, %div3A_596 : vector<16xf32>
        %swap3A_598 = arith.index_cast %add3A_65 : i32 to index
        %swap3A_599 = arith.constant 64 : index
        %swap3A_600 = tpu.vector_load %arg15[%swap3A_598, %swap3A_599] {strides = array<i32>} : memref<40x128xf32, #tpu.memory_space<vmem>>, vector<16xf32>,
        tpu.vector_store %arg15[%swap3A_598, %swap3A_599], %mul3A_597 {strides = array<i32>} : memref<40x128xf32, #tpu.memory_space<vmem>>, vector<16xf32>,
        %get3A_601 = arith.index_cast %add3A_65 : i32 to index
        %get3A_602 = arith.constant 80 : index
        %get3A_603 = tpu.vector_load %arg11[%get3A_601, %get3A_602] {strides = array<i32>} : memref<40x256xf32, #tpu.memory_space<vmem>>, vector<16xf32>,
        %get3A_604 = arith.index_cast %add3A_65 : i32 to index
        %get3A_605 = arith.constant 80 : index
        %get3A_606 = tpu.vector_load %arg12[%get3A_604, %get3A_605] {strides = array<i32>} : memref<40x256xf32, #tpu.memory_space<vmem>>, vector<16xf32>,
        %add3A_607 = arith.addf %get3A_603, %get3A_606 : vector<16xf32>
        %get3A_608 = arith.index_cast %add3A_65 : i32 to index
        %get3A_609 = arith.constant 208 : index
        %get3A_610 = tpu.vector_load %arg11[%get3A_608, %get3A_609] {strides = array<i32>} : memref<40x256xf32, #tpu.memory_space<vmem>>, vector<16xf32>,
        %get3A_611 = arith.index_cast %add3A_65 : i32 to index
        %get3A_612 = arith.constant 208 : index
        %get3A_613 = tpu.vector_load %arg12[%get3A_611, %get3A_612] {strides = array<i32>} : memref<40x256xf32, #tpu.memory_space<vmem>>, vector<16xf32>,
        %add3A_614 = arith.addf %get3A_610, %get3A_613 : vector<16xf32>
        %get3A_615 = arith.constant 0 : i32
        %get3A_616 = arith.index_cast %get3A_615 : i32 to index
        %get3A_617 = arith.constant 80 : index
        %get3A_618 = tpu.vector_load %arg14[%get3A_616, %get3A_617] {strides = array<i32>} : memref<4x256xf32, #tpu.memory_space<vmem>>, vector<16xf32>,
        %mul3A_619 = arith.mulf %gather3A, %get3A_618 : vector<16xf32>
        %add3A_620 = arith.addf %add3A_607, %mul3A_619 : vector<16xf32>
        %get3A_621 = arith.constant 0 : i32
        %get3A_622 = arith.index_cast %get3A_621 : i32 to index
        %get3A_623 = arith.constant 208 : index
        %get3A_624 = tpu.vector_load %arg14[%get3A_622, %get3A_623] {strides = array<i32>} : memref<4x256xf32, #tpu.memory_space<vmem>>, vector<16xf32>,
        %mul3A_625 = arith.mulf %gather3A, %get3A_624 : vector<16xf32>
        %add3A_626 = arith.addf %add3A_614, %mul3A_625 : vector<16xf32>
        %get3A_627 = arith.constant 1 : i32
        %get3A_628 = arith.index_cast %get3A_627 : i32 to index
        %get3A_629 = arith.constant 80 : index
        %get3A_630 = tpu.vector_load %arg14[%get3A_628, %get3A_629] {strides = array<i32>} : memref<4x256xf32, #tpu.memory_space<vmem>>, vector<16xf32>,
        %mul3A_631 = arith.mulf %gather3A_73, %get3A_630 : vector<16xf32>
        %add3A_632 = arith.addf %add3A_620, %mul3A_631 : vector<16xf32>
        %get3A_633 = arith.constant 1 : i32
        %get3A_634 = arith.index_cast %get3A_633 : i32 to index
        %get3A_635 = arith.constant 208 : index
        %get3A_636 = tpu.vector_load %arg14[%get3A_634, %get3A_635] {strides = array<i32>} : memref<4x256xf32, #tpu.memory_space<vmem>>, vector<16xf32>,
        %mul3A_637 = arith.mulf %gather3A_73, %get3A_636 : vector<16xf32>
        %add3A_638 = arith.addf %add3A_626, %mul3A_637 : vector<16xf32>
        %get3A_639 = arith.constant 2 : i32
        %get3A_640 = arith.index_cast %get3A_639 : i32 to index
        %get3A_641 = arith.constant 80 : index
        %get3A_642 = tpu.vector_load %arg14[%get3A_640, %get3A_641] {strides = array<i32>} : memref<4x256xf32, #tpu.memory_space<vmem>>, vector<16xf32>,
        %mul3A_643 = arith.mulf %gather3A_77, %get3A_642 : vector<16xf32>
        %add3A_644 = arith.addf %add3A_632, %mul3A_643 : vector<16xf32>
        %get3A_645 = arith.constant 2 : i32
        %get3A_646 = arith.index_cast %get3A_645 : i32 to index
        %get3A_647 = arith.constant 208 : index
        %get3A_648 = tpu.vector_load %arg14[%get3A_646, %get3A_647] {strides = array<i32>} : memref<4x256xf32, #tpu.memory_space<vmem>>, vector<16xf32>,
        %mul3A_649 = arith.mulf %gather3A_77, %get3A_648 : vector<16xf32>
        %add3A_650 = arith.addf %add3A_638, %mul3A_649 : vector<16xf32>
        %get3A_651 = arith.constant 3 : i32
        %get3A_652 = arith.index_cast %get3A_651 : i32 to index
        %get3A_653 = arith.constant 80 : index
        %get3A_654 = tpu.vector_load %arg14[%get3A_652, %get3A_653] {strides = array<i32>} : memref<4x256xf32, #tpu.memory_space<vmem>>, vector<16xf32>,
        %mul3A_655 = arith.mulf %gather3A_81, %get3A_654 : vector<16xf32>
        %add3A_656 = arith.addf %add3A_644, %mul3A_655 : vector<16xf32>
        %get3A_657 = arith.constant 3 : i32
        %get3A_658 = arith.index_cast %get3A_657 : i32 to index
        %get3A_659 = arith.constant 208 : index
        %get3A_660 = tpu.vector_load %arg14[%get3A_658, %get3A_659] {strides = array<i32>} : memref<4x256xf32, #tpu.memory_space<vmem>>, vector<16xf32>,
        %mul3A_661 = arith.mulf %gather3A_81, %get3A_660 : vector<16xf32>
        %add3A_662 = arith.addf %add3A_650, %mul3A_661 : vector<16xf32>
        %abs3A_663 = math.absf %add3A_656 : vector<16xf32>
        %neg3A_664 = arith.constant 0.000000e+00 : f32
        %neg3A_665 = vector.broadcast %neg3A_664 : f32 to vector<16xf32>
        %neg3A_666 = arith.subf %neg3A_665, %abs3A_663 : vector<16xf32>
        %exp3A_667 = math.exp %neg3A_666 : vector<16xf32>
        %add3A_668 = arith.constant 2.000000e+00 : f32
        %add3A_669 = vector.broadcast %add3A_668 : f32 to vector<16xf32>
        %add3A_670 = arith.addf %add3A_669, %exp3A_667 : vector<16xf32>
        %div3A_671 = arith.divf %exp3A_667, %add3A_670 : vector<16xf32>
        %mul3A_672 = arith.mulf %div3A_671, %div3A_671 : vector<16xf32>
        %mul3A_673 = arith.constant 0.285714298 : f32
        %mul3A_674 = vector.broadcast %mul3A_673 : f32 to vector<16xf32>
        %mul3A_675 = arith.mulf %mul3A_672, %mul3A_674 : vector<16xf32>
        %add3A_676 = arith.constant 4.000000e-01 : f32
        %add3A_677 = vector.broadcast %add3A_676 : f32 to vector<16xf32>
        %add3A_678 = arith.addf %add3A_677, %mul3A_675 : vector<16xf32>
        %mul3A_679 = arith.mulf %mul3A_672, %add3A_678 : vector<16xf32>
        %add3A_680 = arith.constant 0.666666686 : f32
        %add3A_681 = vector.broadcast %add3A_680 : f32 to vector<16xf32>
        %add3A_682 = arith.addf %add3A_681, %mul3A_679 : vector<16xf32>
        %mul3A_683 = arith.mulf %mul3A_672, %add3A_682 : vector<16xf32>
        %add3A_684 = arith.constant 2.000000e+00 : f32
        %add3A_685 = vector.broadcast %add3A_684 : f32 to vector<16xf32>
        %add3A_686 = arith.addf %add3A_685, %mul3A_683 : vector<16xf32>
        %mul3A_687 = arith.mulf %div3A_671, %add3A_686 : vector<16xf32>
        %max3A_688 = arith.constant 0.000000e+00 : f32
        %max3A_689 = vector.broadcast %max3A_688 : f32 to vector<16xf32>
        %max3A_690 = arith.maximumf %add3A_656, %max3A_689 : vector<16xf32>
        %add3A_691 = arith.addf %max3A_690, %mul3A_687 : vector<16xf32>
        %neg3A_692 = arith.constant 0.000000e+00 : f32
        %neg3A_693 = vector.broadcast %neg3A_692 : f32 to vector<16xf32>
        %neg3A_694 = arith.subf %neg3A_693, %add3A_662 : vector<16xf32>
        %exp3A_695 = math.exp %neg3A_694 : vector<16xf32>
        %add3A_696 = arith.constant 1.000000e+00 : f32
        %add3A_697 = vector.broadcast %add3A_696 : f32 to vector<16xf32>
        %add3A_698 = arith.addf %add3A_697, %exp3A_695 : vector<16xf32>
        %div3A_699 = arith.constant 1.000000e+00 : f32
        %div3A_700 = vector.broadcast %div3A_699 : f32 to vector<16xf32>
        %div3A_701 = arith.divf %div3A_700, %add3A_698 : vector<16xf32>
        %mul3A_702 = arith.mulf %add3A_691, %div3A_701 : vector<16xf32>
        %swap3A_703 = arith.index_cast %add3A_65 : i32 to index
        %swap3A_704 = arith.constant 80 : index
        %swap3A_705 = tpu.vector_load %arg15[%swap3A_703, %swap3A_704] {strides = array<i32>} : memref<40x128xf32, #tpu.memory_space<vmem>>, vector<16xf32>,
        tpu.vector_store %arg15[%swap3A_703, %swap3A_704], %mul3A_702 {strides = array<i32>} : memref<40x128xf32, #tpu.memory_space<vmem>>, vector<16xf32>,
        %get3A_706 = arith.index_cast %add3A_65 : i32 to index
        %get3A_707 = arith.constant 96 : index
        %get3A_708 = tpu.vector_load %arg11[%get3A_706, %get3A_707] {strides = array<i32>} : memref<40x256xf32, #tpu.memory_space<vmem>>, vector<16xf32>,
        %get3A_709 = arith.index_cast %add3A_65 : i32 to index
        %get3A_710 = arith.constant 96 : index
        %get3A_711 = tpu.vector_load %arg12[%get3A_709, %get3A_710] {strides = array<i32>} : memref<40x256xf32, #tpu.memory_space<vmem>>, vector<16xf32>,
        %add3A_712 = arith.addf %get3A_708, %get3A_711 : vector<16xf32>
        %get3A_713 = arith.index_cast %add3A_65 : i32 to index
        %get3A_714 = arith.constant 224 : index
        %get3A_715 = tpu.vector_load %arg11[%get3A_713, %get3A_714] {strides = array<i32>} : memref<40x256xf32, #tpu.memory_space<vmem>>, vector<16xf32>,
        %get3A_716 = arith.index_cast %add3A_65 : i32 to index
        %get3A_717 = arith.constant 224 : index
        %get3A_718 = tpu.vector_load %arg12[%get3A_716, %get3A_717] {strides = array<i32>} : memref<40x256xf32, #tpu.memory_space<vmem>>, vector<16xf32>,
        %add3A_719 = arith.addf %get3A_715, %get3A_718 : vector<16xf32>
        %get3A_720 = arith.constant 0 : i32
        %get3A_721 = arith.index_cast %get3A_720 : i32 to index
        %get3A_722 = arith.constant 96 : index
        %get3A_723 = tpu.vector_load %arg14[%get3A_721, %get3A_722] {strides = array<i32>} : memref<4x256xf32, #tpu.memory_space<vmem>>, vector<16xf32>,
        %mul3A_724 = arith.mulf %gather3A, %get3A_723 : vector<16xf32>
        %add3A_725 = arith.addf %add3A_712, %mul3A_724 : vector<16xf32>
        %get3A_726 = arith.constant 0 : i32
        %get3A_727 = arith.index_cast %get3A_726 : i32 to index
        %get3A_728 = arith.constant 224 : index
        %get3A_729 = tpu.vector_load %arg14[%get3A_727, %get3A_728] {strides = array<i32>} : memref<4x256xf32, #tpu.memory_space<vmem>>, vector<16xf32>,
        %mul3A_730 = arith.mulf %gather3A, %get3A_729 : vector<16xf32>
        %add3A_731 = arith.addf %add3A_719, %mul3A_730 : vector<16xf32>
        %get3A_732 = arith.constant 1 : i32
        %get3A_733 = arith.index_cast %get3A_732 : i32 to index
        %get3A_734 = arith.constant 96 : index
        %get3A_735 = tpu.vector_load %arg14[%get3A_733, %get3A_734] {strides = array<i32>} : memref<4x256xf32, #tpu.memory_space<vmem>>, vector<16xf32>,
        %mul3A_736 = arith.mulf %gather3A_73, %get3A_735 : vector<16xf32>
        %add3A_737 = arith.addf %add3A_725, %mul3A_736 : vector<16xf32>
        %get3A_738 = arith.constant 1 : i32
        %get3A_739 = arith.index_cast %get3A_738 : i32 to index
        %get3A_740 = arith.constant 224 : index
        %get3A_741 = tpu.vector_load %arg14[%get3A_739, %get3A_740] {strides = array<i32>} : memref<4x256xf32, #tpu.memory_space<vmem>>, vector<16xf32>,
        %mul3A_742 = arith.mulf %gather3A_73, %get3A_741 : vector<16xf32>
        %add3A_743 = arith.addf %add3A_731, %mul3A_742 : vector<16xf32>
        %get3A_744 = arith.constant 2 : i32
        %get3A_745 = arith.index_cast %get3A_744 : i32 to index
        %get3A_746 = arith.constant 96 : index
        %get3A_747 = tpu.vector_load %arg14[%get3A_745, %get3A_746] {strides = array<i32>} : memref<4x256xf32, #tpu.memory_space<vmem>>, vector<16xf32>,
        %mul3A_748 = arith.mulf %gather3A_77, %get3A_747 : vector<16xf32>
        %add3A_749 = arith.addf %add3A_737, %mul3A_748 : vector<16xf32>
        %get3A_750 = arith.constant 2 : i32
        %get3A_751 = arith.index_cast %get3A_750 : i32 to index
        %get3A_752 = arith.constant 224 : index
        %get3A_753 = tpu.vector_load %arg14[%get3A_751, %get3A_752] {strides = array<i32>} : memref<4x256xf32, #tpu.memory_space<vmem>>, vector<16xf32>,
        %mul3A_754 = arith.mulf %gather3A_77, %get3A_753 : vector<16xf32>
        %add3A_755 = arith.addf %add3A_743, %mul3A_754 : vector<16xf32>
        %get3A_756 = arith.constant 3 : i32
        %get3A_757 = arith.index_cast %get3A_756 : i32 to index
        %get3A_758 = arith.constant 96 : index
        %get3A_759 = tpu.vector_load %arg14[%get3A_757, %get3A_758] {strides = array<i32>} : memref<4x256xf32, #tpu.memory_space<vmem>>, vector<16xf32>,
        %mul3A_760 = arith.mulf %gather3A_81, %get3A_759 : vector<16xf32>
        %add3A_761 = arith.addf %add3A_749, %mul3A_760 : vector<16xf32>
        %get3A_762 = arith.constant 3 : i32
        %get3A_763 = arith.index_cast %get3A_762 : i32 to index
        %get3A_764 = arith.constant 224 : index
        %get3A_765 = tpu.vector_load %arg14[%get3A_763, %get3A_764] {strides = array<i32>} : memref<4x256xf32, #tpu.memory_space<vmem>>, vector<16xf32>,
        %mul3A_766 = arith.mulf %gather3A_81, %get3A_765 : vector<16xf32>
        %add3A_767 = arith.addf %add3A_755, %mul3A_766 : vector<16xf32>
        %abs3A_768 = math.absf %add3A_761 : vector<16xf32>
        %neg3A_769 = arith.constant 0.000000e+00 : f32
        %neg3A_770 = vector.broadcast %neg3A_769 : f32 to vector<16xf32>
        %neg3A_771 = arith.subf %neg3A_770, %abs3A_768 : vector<16xf32>
        %exp3A_772 = math.exp %neg3A_771 : vector<16xf32>
        %add3A_773 = arith.constant 2.000000e+00 : f32
        %add3A_774 = vector.broadcast %add3A_773 : f32 to vector<16xf32>
        %add3A_775 = arith.addf %add3A_774, %exp3A_772 : vector<16xf32>
        %div3A_776 = arith.divf %exp3A_772, %add3A_775 : vector<16xf32>
        %mul3A_777 = arith.mulf %div3A_776, %div3A_776 : vector<16xf32>
        %mul3A_778 = arith.constant 0.285714298 : f32
        %mul3A_779 = vector.broadcast %mul3A_778 : f32 to vector<16xf32>
        %mul3A_780 = arith.mulf %mul3A_777, %mul3A_779 : vector<16xf32>
        %add3A_781 = arith.constant 4.000000e-01 : f32
        %add3A_782 = vector.broadcast %add3A_781 : f32 to vector<16xf32>
        %add3A_783 = arith.addf %add3A_782, %mul3A_780 : vector<16xf32>
        %mul3A_784 = arith.mulf %mul3A_777, %add3A_783 : vector<16xf32>
        %add3A_785 = arith.constant 0.666666686 : f32
        %add3A_786 = vector.broadcast %add3A_785 : f32 to vector<16xf32>
        %add3A_787 = arith.addf %add3A_786, %mul3A_784 : vector<16xf32>
        %mul3A_788 = arith.mulf %mul3A_777, %add3A_787 : vector<16xf32>
        %add3A_789 = arith.constant 2.000000e+00 : f32
        %add3A_790 = vector.broadcast %add3A_789 : f32 to vector<16xf32>
        %add3A_791 = arith.addf %add3A_790, %mul3A_788 : vector<16xf32>
        %mul3A_792 = arith.mulf %div3A_776, %add3A_791 : vector<16xf32>
        %max3A_793 = arith.constant 0.000000e+00 : f32
        %max3A_794 = vector.broadcast %max3A_793 : f32 to vector<16xf32>
        %max3A_795 = arith.maximumf %add3A_761, %max3A_794 : vector<16xf32>
        %add3A_796 = arith.addf %max3A_795, %mul3A_792 : vector<16xf32>
        %neg3A_797 = arith.constant 0.000000e+00 : f32
        %neg3A_798 = vector.broadcast %neg3A_797 : f32 to vector<16xf32>
        %neg3A_799 = arith.subf %neg3A_798, %add3A_767 : vector<16xf32>
        %exp3A_800 = math.exp %neg3A_799 : vector<16xf32>
        %add3A_801 = arith.constant 1.000000e+00 : f32
        %add3A_802 = vector.broadcast %add3A_801 : f32 to vector<16xf32>
        %add3A_803 = arith.addf %add3A_802, %exp3A_800 : vector<16xf32>
        %div3A_804 = arith.constant 1.000000e+00 : f32
        %div3A_805 = vector.broadcast %div3A_804 : f32 to vector<16xf32>
        %div3A_806 = arith.divf %div3A_805, %add3A_803 : vector<16xf32>
        %mul3A_807 = arith.mulf %add3A_796, %div3A_806 : vector<16xf32>
        %swap3A_808 = arith.index_cast %add3A_65 : i32 to index
        %swap3A_809 = arith.constant 96 : index
        %swap3A_810 = tpu.vector_load %arg15[%swap3A_808, %swap3A_809] {strides = array<i32>} : memref<40x128xf32, #tpu.memory_space<vmem>>, vector<16xf32>,
        tpu.vector_store %arg15[%swap3A_808, %swap3A_809], %mul3A_807 {strides = array<i32>} : memref<40x128xf32, #tpu.memory_space<vmem>>, vector<16xf32>,
        %get3A_811 = arith.index_cast %add3A_65 : i32 to index
        %get3A_812 = arith.constant 112 : index
        %get3A_813 = tpu.vector_load %arg11[%get3A_811, %get3A_812] {strides = array<i32>} : memref<40x256xf32, #tpu.memory_space<vmem>>, vector<16xf32>,
        %get3A_814 = arith.index_cast %add3A_65 : i32 to index
        %get3A_815 = arith.constant 112 : index
        %get3A_816 = tpu.vector_load %arg12[%get3A_814, %get3A_815] {strides = array<i32>} : memref<40x256xf32, #tpu.memory_space<vmem>>, vector<16xf32>,
        %add3A_817 = arith.addf %get3A_813, %get3A_816 : vector<16xf32>
        %get3A_818 = arith.index_cast %add3A_65 : i32 to index
        %get3A_819 = arith.constant 240 : index
        %get3A_820 = tpu.vector_load %arg11[%get3A_818, %get3A_819] {strides = array<i32>} : memref<40x256xf32, #tpu.memory_space<vmem>>, vector<16xf32>,
        %get3A_821 = arith.index_cast %add3A_65 : i32 to index
        %get3A_822 = arith.constant 240 : index
        %get3A_823 = tpu.vector_load %arg12[%get3A_821, %get3A_822] {strides = array<i32>} : memref<40x256xf32, #tpu.memory_space<vmem>>, vector<16xf32>,
        %add3A_824 = arith.addf %get3A_820, %get3A_823 : vector<16xf32>
        %get3A_825 = arith.constant 0 : i32
        %get3A_826 = arith.index_cast %get3A_825 : i32 to index
        %get3A_827 = arith.constant 112 : index
        %get3A_828 = tpu.vector_load %arg14[%get3A_826, %get3A_827] {strides = array<i32>} : memref<4x256xf32, #tpu.memory_space<vmem>>, vector<16xf32>,
        %mul3A_829 = arith.mulf %gather3A, %get3A_828 : vector<16xf32>
        %add3A_830 = arith.addf %add3A_817, %mul3A_829 : vector<16xf32>
        %get3A_831 = arith.constant 0 : i32
        %get3A_832 = arith.index_cast %get3A_831 : i32 to index
        %get3A_833 = arith.constant 240 : index
        %get3A_834 = tpu.vector_load %arg14[%get3A_832, %get3A_833] {strides = array<i32>} : memref<4x256xf32, #tpu.memory_space<vmem>>, vector<16xf32>,
        %mul3A_835 = arith.mulf %gather3A, %get3A_834 : vector<16xf32>
        %add3A_836 = arith.addf %add3A_824, %mul3A_835 : vector<16xf32>
        %get3A_837 = arith.constant 1 : i32
        %get3A_838 = arith.index_cast %get3A_837 : i32 to index
        %get3A_839 = arith.constant 112 : index
        %get3A_840 = tpu.vector_load %arg14[%get3A_838, %get3A_839] {strides = array<i32>} : memref<4x256xf32, #tpu.memory_space<vmem>>, vector<16xf32>,
        %mul3A_841 = arith.mulf %gather3A_73, %get3A_840 : vector<16xf32>
        %add3A_842 = arith.addf %add3A_830, %mul3A_841 : vector<16xf32>
        %get3A_843 = arith.constant 1 : i32
        %get3A_844 = arith.index_cast %get3A_843 : i32 to index
        %get3A_845 = arith.constant 240 : index
        %get3A_846 = tpu.vector_load %arg14[%get3A_844, %get3A_845] {strides = array<i32>} : memref<4x256xf32, #tpu.memory_space<vmem>>, vector<16xf32>,
        %mul3A_847 = arith.mulf %gather3A_73, %get3A_846 : vector<16xf32>
        %add3A_848 = arith.addf %add3A_836, %mul3A_847 : vector<16xf32>
        %get3A_849 = arith.constant 2 : i32
        %get3A_850 = arith.index_cast %get3A_849 : i32 to index
        %get3A_851 = arith.constant 112 : index
        %get3A_852 = tpu.vector_load %arg14[%get3A_850, %get3A_851] {strides = array<i32>} : memref<4x256xf32, #tpu.memory_space<vmem>>, vector<16xf32>,
        %mul3A_853 = arith.mulf %gather3A_77, %get3A_852 : vector<16xf32>
        %add3A_854 = arith.addf %add3A_842, %mul3A_853 : vector<16xf32>
        %get3A_855 = arith.constant 2 : i32
        %get3A_856 = arith.index_cast %get3A_855 : i32 to index
        %get3A_857 = arith.constant 240 : index
        %get3A_858 = tpu.vector_load %arg14[%get3A_856, %get3A_857] {strides = array<i32>} : memref<4x256xf32, #tpu.memory_space<vmem>>, vector<16xf32>,
        %mul3A_859 = arith.mulf %gather3A_77, %get3A_858 : vector<16xf32>
        %add3A_860 = arith.addf %add3A_848, %mul3A_859 : vector<16xf32>
        %get3A_861 = arith.constant 3 : i32
        %get3A_862 = arith.index_cast %get3A_861 : i32 to index
        %get3A_863 = arith.constant 112 : index
        %get3A_864 = tpu.vector_load %arg14[%get3A_862, %get3A_863] {strides = array<i32>} : memref<4x256xf32, #tpu.memory_space<vmem>>, vector<16xf32>,
        %mul3A_865 = arith.mulf %gather3A_81, %get3A_864 : vector<16xf32>
        %add3A_866 = arith.addf %add3A_854, %mul3A_865 : vector<16xf32>
        %get3A_867 = arith.constant 3 : i32
        %get3A_868 = arith.index_cast %get3A_867 : i32 to index
        %get3A_869 = arith.constant 240 : index
        %get3A_870 = tpu.vector_load %arg14[%get3A_868, %get3A_869] {strides = array<i32>} : memref<4x256xf32, #tpu.memory_space<vmem>>, vector<16xf32>,
        %mul3A_871 = arith.mulf %gather3A_81, %get3A_870 : vector<16xf32>
        %add3A_872 = arith.addf %add3A_860, %mul3A_871 : vector<16xf32>
        %abs3A_873 = math.absf %add3A_866 : vector<16xf32>
        %neg3A_874 = arith.constant 0.000000e+00 : f32
        %neg3A_875 = vector.broadcast %neg3A_874 : f32 to vector<16xf32>
        %neg3A_876 = arith.subf %neg3A_875, %abs3A_873 : vector<16xf32>
        %exp3A_877 = math.exp %neg3A_876 : vector<16xf32>
        %add3A_878 = arith.constant 2.000000e+00 : f32
        %add3A_879 = vector.broadcast %add3A_878 : f32 to vector<16xf32>
        %add3A_880 = arith.addf %add3A_879, %exp3A_877 : vector<16xf32>
        %div3A_881 = arith.divf %exp3A_877, %add3A_880 : vector<16xf32>
        %mul3A_882 = arith.mulf %div3A_881, %div3A_881 : vector<16xf32>
        %mul3A_883 = arith.constant 0.285714298 : f32
        %mul3A_884 = vector.broadcast %mul3A_883 : f32 to vector<16xf32>
        %mul3A_885 = arith.mulf %mul3A_882, %mul3A_884 : vector<16xf32>
        %add3A_886 = arith.constant 4.000000e-01 : f32
        %add3A_887 = vector.broadcast %add3A_886 : f32 to vector<16xf32>
        %add3A_888 = arith.addf %add3A_887, %mul3A_885 : vector<16xf32>
        %mul3A_889 = arith.mulf %mul3A_882, %add3A_888 : vector<16xf32>
        %add3A_890 = arith.constant 0.666666686 : f32
        %add3A_891 = vector.broadcast %add3A_890 : f32 to vector<16xf32>
        %add3A_892 = arith.addf %add3A_891, %mul3A_889 : vector<16xf32>
        %mul3A_893 = arith.mulf %mul3A_882, %add3A_892 : vector<16xf32>
        %add3A_894 = arith.constant 2.000000e+00 : f32
        %add3A_895 = vector.broadcast %add3A_894 : f32 to vector<16xf32>
        %add3A_896 = arith.addf %add3A_895, %mul3A_893 : vector<16xf32>
        %mul3A_897 = arith.mulf %div3A_881, %add3A_896 : vector<16xf32>
        %max3A_898 = arith.constant 0.000000e+00 : f32
        %max3A_899 = vector.broadcast %max3A_898 : f32 to vector<16xf32>
        %max3A_900 = arith.maximumf %add3A_866, %max3A_899 : vector<16xf32>
        %add3A_901 = arith.addf %max3A_900, %mul3A_897 : vector<16xf32>
        %neg3A_902 = arith.constant 0.000000e+00 : f32
        %neg3A_903 = vector.broadcast %neg3A_902 : f32 to vector<16xf32>
        %neg3A_904 = arith.subf %neg3A_903, %add3A_872 : vector<16xf32>
        %exp3A_905 = math.exp %neg3A_904 : vector<16xf32>
        %add3A_906 = arith.constant 1.000000e+00 : f32
        %add3A_907 = vector.broadcast %add3A_906 : f32 to vector<16xf32>
        %add3A_908 = arith.addf %add3A_907, %exp3A_905 : vector<16xf32>
        %div3A_909 = arith.constant 1.000000e+00 : f32
        %div3A_910 = vector.broadcast %div3A_909 : f32 to vector<16xf32>
        %div3A_911 = arith.divf %div3A_910, %add3A_908 : vector<16xf32>
        %mul3A_912 = arith.mulf %add3A_901, %div3A_911 : vector<16xf32>
        %swap3A_913 = arith.index_cast %add3A_65 : i32 to index
        %swap3A_914 = arith.constant 112 : index
        %swap3A_915 = tpu.vector_load %arg15[%swap3A_913, %swap3A_914] {strides = array<i32>} : memref<40x128xf32, #tpu.memory_space<vmem>>, vector<16xf32>,
        tpu.vector_store %arg15[%swap3A_913, %swap3A_914], %mul3A_912 {strides = array<i32>} : memref<40x128xf32, #tpu.memory_space<vmem>>, vector<16xf32>,
      }
      %scan3A_60 = arith.constant 40 : i32
      "tpu.region"() ({
        %run_scoped3A = tpu.sem_alloc : memref<!tpu.dma_semaphore, #tpu.memory_space<semaphore_mem>>
        %dma_start3A_61 = arith.constant 0 : i32
        %dma_start3A_62 = arith.constant 0 : i32
        %dma_start3A_63 = tpu.memref_slice %arg17[%dma_start3A_61, %dma_start3A_62] : memref<10240x128xf32, #tpu.memory_space<vmem_shared>> -> memref<10240x128xf32, #tpu.memory_space<vmem_shared>>
        tpu.enqueue_indirect_dma source(%arg15 : memref<40x128xf32, #tpu.memory_space<vmem>>) target(%dma_start3A_63 : memref<10240x128xf32, #tpu.memory_space<vmem_shared>>) offsets(%arg10 : memref<40xi32, #tpu.memory_space<vmem>>) semaphore(%run_scoped3A : memref<!tpu.dma_semaphore, #tpu.memory_space<semaphore_mem>>) {add = true}
        %dma_wait3A_64 = arith.constant 0 : i32
        %dma_wait3A_65 = arith.constant 0 : i32
        %dma_wait3A_66 = tpu.memref_slice %arg17[%dma_wait3A_64, %dma_wait3A_65] : memref<10240x128xf32, #tpu.memory_space<vmem_shared>> -> memref<10240x128xf32, #tpu.memory_space<vmem_shared>>
        tpu.wait_indirect_dma semaphore(%run_scoped3A : memref<!tpu.dma_semaphore, #tpu.memory_space<semaphore_mem>>) src(%arg15 : memref<40x128xf32, #tpu.memory_space<vmem>>) dst(%dma_wait3A_66 : memref<10240x128xf32, #tpu.memory_space<vmem_shared>>)
        tpu.yield
      }) : () -> ()
    }
    %scan3A_16 = arith.constant 250 : i32
    %barrier3A_17 = arith.constant 0 : index
    tpu.barrier barrier_id(%barrier3A_17)
    %eq3A = arith.constant 15 : i32
    %eq3A_18 = arith.cmpi eq, %arg1, %eq3A : i32
    %jit3A = arith.constant 25 : i32
    %jit3A_19 = arith.constant 40 : i32
    %select_n3A = arith.select %eq3A_18, %jit3A, %jit3A_19 : i32
    %sub3A = arith.constant 0 : i32
    %sub3A_20 = arith.subi %select_n3A, %sub3A : i32
    %sub3A_21 = arith.constant 1 : i32
    %sub3A_22 = arith.constant 1 : i32
    %sub3A_23 = arith.subi %sub3A_21, %sub3A_22 : i32
    %add3A_24 = arith.addi %sub3A_20, %sub3A_23 : i32
    %div3A = arith.constant 1 : i32
    %div3A_25 = arith.divsi %add3A_24, %div3A : i32
    %while3A = arith.constant 1 : i32
    %while3A_26 = arith.constant 0 : i32
    %while3A_27 = arith.constant 0 : i32
    %while3A_28 = arith.subi %div3A_25, %while3A_27 : i32
    %while3A_29 = arith.addi %while3A_27, %while3A_28 : i32
    %while3A_30 = arith.constant 1 : i32
    %while3A_31 = arith.divsi %while3A_28, %while3A_30 : i32
    %while3A_32 = arith.muli %while3A_31, %while3A_30 : i32
    %while3A_33 = arith.addi %while3A_27, %while3A_32 : i32
    %while3A_34 = arith.constant 1 : i32
    scf.for %while3A_36 = %while3A_27 to %while3A_33 step %while3A_34  : i32 {
      %mul3A_37 = arith.muli %while3A_36, %while3A : i32
      %add3A_38 = arith.addi %while3A_26, %mul3A_37 : i32
      %mul3A_39 = arith.constant 640 : i32
      %mul3A_40 = arith.muli %arg1, %mul3A_39 : i32
      %mul3A_41 = arith.constant 16 : i32
      %mul3A_42 = arith.muli %add3A_38, %mul3A_41 : i32
      %add3A_43 = arith.addi %mul3A_40, %mul3A_42 : i32
      "tpu.region"() ({
        %run_scoped3A = tpu.sem_alloc : memref<!tpu.dma_semaphore, #tpu.memory_space<semaphore_mem>>
        %dma_start3A = arith.constant 0 : i32
        %dma_start3A_44 = tpu.memref_slice %arg8[%arg0, %add3A_43, %dma_start3A] : memref<2x10000x128xf32, #tpu.memory_space<hbm>> -> memref<1x16x128xf32, #tpu.memory_space<hbm>>
        %dma_start3A_45 = tpu.memref_squeeze %dma_start3A_44 : memref<1x16x128xf32, #tpu.memory_space<hbm>> -> memref<16x128xf32, #tpu.memory_space<hbm>>
        %dma_start3A_46 = arith.constant 0 : i32
        %dma_start3A_47 = tpu.memref_slice %arg17[%add3A_43, %dma_start3A_46] : memref<10240x128xf32, #tpu.memory_space<vmem_shared>> -> memref<16x128xf32, #tpu.memory_space<vmem_shared>>
        tpu.enqueue_dma source(%dma_start3A_47 : memref<16x128xf32, #tpu.memory_space<vmem_shared>>) target(%dma_start3A_45 : memref<16x128xf32, #tpu.memory_space<hbm>>) target_semaphore(%run_scoped3A : memref<!tpu.dma_semaphore, #tpu.memory_space<semaphore_mem>>)
        %dma_wait3A = arith.constant 0 : i32
        %dma_wait3A_48 = tpu.memref_slice %arg8[%arg0, %add3A_43, %dma_wait3A] : memref<2x10000x128xf32, #tpu.memory_space<hbm>> -> memref<1x16x128xf32, #tpu.memory_space<hbm>>
        %dma_wait3A_49 = tpu.memref_squeeze %dma_wait3A_48 : memref<1x16x128xf32, #tpu.memory_space<hbm>> -> memref<16x128xf32, #tpu.memory_space<hbm>>
        %dma_wait3A_50 = arith.constant 0 : i32
        %dma_wait3A_51 = tpu.memref_slice %arg17[%add3A_43, %dma_wait3A_50] : memref<10240x128xf32, #tpu.memory_space<vmem_shared>> -> memref<16x128xf32, #tpu.memory_space<vmem_shared>>
        tpu.wait_dma2 semaphore(%run_scoped3A : memref<!tpu.dma_semaphore, #tpu.memory_space<semaphore_mem>>) src(%dma_wait3A_51 : memref<16x128xf32, #tpu.memory_space<vmem_shared>>) dst(%dma_wait3A_49 : memref<16x128xf32, #tpu.memory_space<hbm>>)
        tpu.yield
      }) : () -> ()
    }
    %while3A_35 = arith.constant 1 : i32
    scf.for %while3A_36 = %while3A_33 to %while3A_29 step %while3A_35  : i32 {
      %mul3A_37 = arith.muli %while3A_36, %while3A : i32
      %add3A_38 = arith.addi %while3A_26, %mul3A_37 : i32
      %mul3A_39 = arith.constant 640 : i32
      %mul3A_40 = arith.muli %arg1, %mul3A_39 : i32
      %mul3A_41 = arith.constant 16 : i32
      %mul3A_42 = arith.muli %add3A_38, %mul3A_41 : i32
      %add3A_43 = arith.addi %mul3A_40, %mul3A_42 : i32
      "tpu.region"() ({
        %run_scoped3A = tpu.sem_alloc : memref<!tpu.dma_semaphore, #tpu.memory_space<semaphore_mem>>
        %dma_start3A = arith.constant 0 : i32
        %dma_start3A_44 = tpu.memref_slice %arg8[%arg0, %add3A_43, %dma_start3A] : memref<2x10000x128xf32, #tpu.memory_space<hbm>> -> memref<1x16x128xf32, #tpu.memory_space<hbm>>
        %dma_start3A_45 = tpu.memref_squeeze %dma_start3A_44 : memref<1x16x128xf32, #tpu.memory_space<hbm>> -> memref<16x128xf32, #tpu.memory_space<hbm>>
        %dma_start3A_46 = arith.constant 0 : i32
        %dma_start3A_47 = tpu.memref_slice %arg17[%add3A_43, %dma_start3A_46] : memref<10240x128xf32, #tpu.memory_space<vmem_shared>> -> memref<16x128xf32, #tpu.memory_space<vmem_shared>>
        tpu.enqueue_dma source(%dma_start3A_47 : memref<16x128xf32, #tpu.memory_space<vmem_shared>>) target(%dma_start3A_45 : memref<16x128xf32, #tpu.memory_space<hbm>>) target_semaphore(%run_scoped3A : memref<!tpu.dma_semaphore, #tpu.memory_space<semaphore_mem>>)
        %dma_wait3A = arith.constant 0 : i32
        %dma_wait3A_48 = tpu.memref_slice %arg8[%arg0, %add3A_43, %dma_wait3A] : memref<2x10000x128xf32, #tpu.memory_space<hbm>> -> memref<1x16x128xf32, #tpu.memory_space<hbm>>
        %dma_wait3A_49 = tpu.memref_squeeze %dma_wait3A_48 : memref<1x16x128xf32, #tpu.memory_space<hbm>> -> memref<16x128xf32, #tpu.memory_space<hbm>>
        %dma_wait3A_50 = arith.constant 0 : i32
        %dma_wait3A_51 = tpu.memref_slice %arg17[%add3A_43, %dma_wait3A_50] : memref<10240x128xf32, #tpu.memory_space<vmem_shared>> -> memref<16x128xf32, #tpu.memory_space<vmem_shared>>
        tpu.wait_dma2 semaphore(%run_scoped3A : memref<!tpu.dma_semaphore, #tpu.memory_space<semaphore_mem>>) src(%dma_wait3A_51 : memref<16x128xf32, #tpu.memory_space<vmem_shared>>) dst(%dma_wait3A_49 : memref<16x128xf32, #tpu.memory_space<hbm>>)
        tpu.yield
      }) : () -> ()
    }
    return
  }
}

module attributes {stable_mosaic.version = 14 : i64} {
  func.func @body(%arg0: i32, %arg1: memref<1000x128xf32, #tpu.memory_space<vmem>>, %arg2: memref<128x256xf32, #tpu.memory_space<vmem>>, %arg3: memref<128x256xf32, #tpu.memory_space<vmem>>, %arg4: memref<1x256xf32, #tpu.memory_space<vmem>>, %arg5: memref<1000x256xf32, #tpu.memory_space<vmem>>, %arg6: memref<1000x256xf32, #tpu.memory_space<vmem>>) attributes {dimension_semantics = [#tpu.dimension_semantics<arbitrary>], iteration_bounds = array<i64: 10>, scalar_prefetch = 0 : i64, scratch_operands = 0 : i64, tpu.core_type = #tpu.core_type<tc>, window_params = [{transform_indices = @transform_0, window_bounds = array<i64: 1000, 128>}, {pipeline_mode = #tpu.pipeline_mode<synchronous>, transform_indices = @transform_1, window_bounds = array<i64: 128, 256>}, {pipeline_mode = #tpu.pipeline_mode<synchronous>, transform_indices = @transform_2, window_bounds = array<i64: 128, 256>}, {pipeline_mode = #tpu.pipeline_mode<synchronous>, transform_indices = @transform_3, window_bounds = array<i64: 1, 256>}, {transform_indices = @transform_4, window_bounds = array<i64: 1000, 256>}, {transform_indices = @transform_5, window_bounds = array<i64: 1000, 256>}]} {
    %get3A = arith.constant 0 : index
    %get3A_0 = arith.constant 0 : index
    %get3A_1 = vector.load %arg1[%get3A, %get3A_0] : memref<1000x128xf32, #tpu.memory_space<vmem>>, vector<1000x128xf32>
    %get3A_2 = arith.constant 0 : index
    %get3A_3 = arith.constant 0 : index
    %get3A_4 = vector.load %arg2[%get3A_2, %get3A_3] : memref<128x256xf32, #tpu.memory_space<vmem>>, vector<128x256xf32>
    %dot_general3A = arith.constant dense<0.000000e+00> : vector<1000x256xf32>
    %dot_general3A_5 = tpu.matmul %get3A_1, %get3A_4, %dot_general3A {dimension_numbers = #tpu.dot_dimension_numbers<[1], [0], [0], [1], [0, 0, 1, 1], [], []>, transpose_lhs_hint = false} : vector<1000x128xf32>, vector<128x256xf32>, vector<1000x256xf32> -> vector<1000x256xf32>
    %swap3A = arith.constant 0 : index
    %swap3A_6 = arith.constant 0 : index
    %swap3A_7 = vector.load %arg5[%swap3A, %swap3A_6] : memref<1000x256xf32, #tpu.memory_space<vmem>>, vector<1000x256xf32>
    tpu.vector_store %arg5[%swap3A, %swap3A_6], %dot_general3A_5 {strides = array<i32>} : memref<1000x256xf32, #tpu.memory_space<vmem>>, vector<1000x256xf32>,
    %get3A_8 = arith.constant 0 : index
    %get3A_9 = arith.constant 0 : index
    %get3A_10 = vector.load %arg3[%get3A_8, %get3A_9] : memref<128x256xf32, #tpu.memory_space<vmem>>, vector<128x256xf32>
    %dot_general3A_11 = arith.constant dense<0.000000e+00> : vector<1000x256xf32>
    %dot_general3A_12 = tpu.matmul %get3A_1, %get3A_10, %dot_general3A_11 {dimension_numbers = #tpu.dot_dimension_numbers<[1], [0], [0], [1], [0, 0, 1, 1], [], []>, transpose_lhs_hint = false} : vector<1000x128xf32>, vector<128x256xf32>, vector<1000x256xf32> -> vector<1000x256xf32>
    %get3A_13 = arith.constant 0 : index
    %get3A_14 = arith.constant 0 : index
    %get3A_15 = vector.load %arg4[%get3A_13, %get3A_14] : memref<1x256xf32, #tpu.memory_space<vmem>>, vector<1x256xf32>
    %add3A = vector.broadcast %get3A_15 : vector<1x256xf32> to vector<1000x256xf32>
    %add3A_16 = arith.addf %dot_general3A_12, %add3A : vector<1000x256xf32>
    %swap3A_17 = arith.constant 0 : index
    %swap3A_18 = arith.constant 0 : index
    %swap3A_19 = vector.load %arg6[%swap3A_17, %swap3A_18] : memref<1000x256xf32, #tpu.memory_space<vmem>>, vector<1000x256xf32>
    tpu.vector_store %arg6[%swap3A_17, %swap3A_18], %add3A_16 {strides = array<i32>} : memref<1000x256xf32, #tpu.memory_space<vmem>>, vector<1000x256xf32>,
    return
  }
  func.func @transform_0(%arg0: i32) -> (i32, i32) {
    %c0_i32 = arith.constant 0 : i32
    %c0_i32_0 = arith.constant 0 : i32
    return %arg0, %c0_i32 : i32, i32
  }
  func.func @transform_1(%arg0: i32) -> (i32, i32) {
    %c0_i32 = arith.constant 0 : i32
    %c0_i32_0 = arith.constant 0 : i32
    %c0_i32_1 = arith.constant 0 : i32
    return %c0_i32, %c0_i32_0 : i32, i32
  }
  func.func @transform_2(%arg0: i32) -> (i32, i32) {
    %c0_i32 = arith.constant 0 : i32
    %c0_i32_0 = arith.constant 0 : i32
    %c0_i32_1 = arith.constant 0 : i32
    return %c0_i32, %c0_i32_0 : i32, i32
  }
  func.func @transform_3(%arg0: i32) -> (i32, i32) {
    %c0_i32 = arith.constant 0 : i32
    %c0_i32_0 = arith.constant 0 : i32
    %c0_i32_1 = arith.constant 0 : i32
    return %c0_i32, %c0_i32_0 : i32, i32
  }
  func.func @transform_4(%arg0: i32) -> (i32, i32) {
    %c0_i32 = arith.constant 0 : i32
    %c0_i32_0 = arith.constant 0 : i32
    return %arg0, %c0_i32 : i32, i32
  }
  func.func @transform_5(%arg0: i32) -> (i32, i32) {
    %c0_i32 = arith.constant 0 : i32
    %c0_i32_0 = arith.constant 0 : i32
    return %arg0, %c0_i32 : i32, i32
  }
}

module attributes {stable_mosaic.version = 14 : i64} {
  func.func @body(%arg0: i32, %arg1: memref<2x1000x128xf32, #tpu.memory_space<vmem>>, %arg2: memref<1000x128xf32, #tpu.memory_space<vmem>>) attributes {dimension_semantics = [#tpu.dimension_semantics<arbitrary>], iteration_bounds = array<i64: 10>, scalar_prefetch = 0 : i64, scratch_operands = 0 : i64, tpu.core_type = #tpu.core_type<tc>, window_params = [{transform_indices = @transform_0, window_bounds = array<i64: 2, 1000, 128>}, {transform_indices = @transform_1, window_bounds = array<i64: 1000, 128>}]} {
    %get3A = arith.constant 0 : index
    %get3A_0 = arith.constant 0 : index
    %get3A_1 = arith.constant 0 : index
    %get3A_2 = vector.load %arg1[%get3A, %get3A_0, %get3A_1] : memref<2x1000x128xf32, #tpu.memory_space<vmem>>, vector<1x1000x128xf32>
    %get3A_3 = vector.shape_cast %get3A_2 : vector<1x1000x128xf32> to vector<1000x128xf32>
    %get3A_4 = arith.constant 1 : index
    %get3A_5 = arith.constant 0 : index
    %get3A_6 = arith.constant 0 : index
    %get3A_7 = vector.load %arg1[%get3A_4, %get3A_5, %get3A_6] : memref<2x1000x128xf32, #tpu.memory_space<vmem>>, vector<1x1000x128xf32>
    %get3A_8 = vector.shape_cast %get3A_7 : vector<1x1000x128xf32> to vector<1000x128xf32>
    %add3A = arith.addf %get3A_3, %get3A_8 : vector<1000x128xf32>
    %swap3A = arith.constant 0 : index
    %swap3A_9 = arith.constant 0 : index
    %swap3A_10 = vector.load %arg2[%swap3A, %swap3A_9] : memref<1000x128xf32, #tpu.memory_space<vmem>>, vector<1000x128xf32>
    tpu.vector_store %arg2[%swap3A, %swap3A_9], %add3A {strides = array<i32>} : memref<1000x128xf32, #tpu.memory_space<vmem>>, vector<1000x128xf32>,
    return
  }
  func.func @transform_0(%arg0: i32) -> (i32, i32, i32) {
    %c0_i32 = arith.constant 0 : i32
    %c0_i32_0 = arith.constant 0 : i32
    %c0_i32_1 = arith.constant 0 : i32
    return %c0_i32, %arg0, %c0_i32_0 : i32, i32, i32
  }
  func.func @transform_1(%arg0: i32) -> (i32, i32) {
    %c0_i32 = arith.constant 0 : i32
    %c0_i32_0 = arith.constant 0 : i32
    return %arg0, %c0_i32 : i32, i32
  }
}

</mosaic_0001>

<sc_bundles>
// kernel: kernel.5.cloned.1.call-start
scs
__scs_entry_jumppad:
0x0: {  	(pc) =	sbr.rel $0x88, $3  }
0x1: {  	(tag) =	ssettag $0x0;
	lr =	simm.s32 $0x1  }
0x2: {  	[smem:$0x3F9A] =	sst lr;
	_ =	strace $0xD0000000  }
0x3: {  	_ = 	snop  }
0x4: {  	_ = 	snop  }
0x5: {  	_ = 	snop  }
0x6: {  	_ = 	snop  }
0x7: {  	_ = 	snop  }
__scs_overlays_trampoline_lowered:
0x8: {  	[smem:$0x3FA9] =	sst s0  }
0x9: {  	[smem:$0x3FAA] =	sst s1  }
0xa: {  	[smem:$0x3FAB] =	sst s2  }
0xb: {  	[smem:$0x3FAC] =	sst s3  }
0xc: {  	[smem:$0x3FAD] =	sst s4  }
0xd: {  	[smem:$0x3FAE] =	sst s5  }
0xe: {  	[smem:$0x3FAF] =	sst s6  }
0xf: {  	[smem:$0x3FB0] =	sst s7  }
0x10: {  	[smem:$0x3FB1] =	sst s8  }
0x11: {  	[smem:$0x3FB2] =	sst s9;
	s0 =	simm.s32 @!p0 $0x0  }
0x12: {  	s1 =	sld [smem:$0x3F98];
	s0 =	simm.s32 @p0 $0x1  }
0x13: {  	[smem:$0x3FB3] =	sst s0;
	s0 =	simm.s32 @!p1 $0x0  }
0x14: {  	s2 =	sld [smem:$0x3F97];
	s0 =	simm.s32 @p1 $0x1  }
0x15: {  	[smem:$0x3FB4] =	sst s0;
	s0 =	simm.s32 @!p2 $0x0  }
0x16: {  	s3 =	sld [smem:$0x3FDB];
	s0 =	simm.s32 @p2 $0x1  }
0x17: {  	s4 =	simm.s32 $0x1BF5;
	[smem:$0x3FB6] =	sst s0  }
0x18: {  	s0 =	sld [smem:$0x3F99];
	_ =	swait.ge [sflag:s4], $0x0  }
0x19: {  	s7 =	sld [smem:$0x3F9A]  }
0x1a: {  	s8 =	sadd.s32 $0xFFFFE003, lr  }
0x1b: {  	s9 =	sadd.s32 $0xFFFFFEF7, lr;
	s5 =	simm.s32 $0xFFFFFFFF;
	p2 =	slt.u32 s8, $0xFFFFF086  }
0x1c: {  	p1 =	slt.u32 s9, $0xF7A;
	s5 =	simm.s32 @!p2 $0x0  }
0x1d: {  	s5 =	simm.s32 @p1 $0x1;
	p0 =	seq.s32 s7, s2  }
0x1e: {  	s7 =	smul.u32 @!p0 $0xF7A, s2;
	p2 =	seq.s32 @!p0 s5, $0x0  }
0x1f: {  	s9 =	smul.u32 $0xF7A, s1;
	s8 =	simm.s32 @!p0 $0x1BF5;
	p2 =	por !p2, p0  }
0x20: {  	[sflag:s8] =	ssyncset.s32 @!p0 $0xFFFFF086;
	s6 =	sadd.s32 @!p0 s3, s7;
	s7 =	simm.s32 @!p0 $0x108  }
0x21: {  	s3 =	sadd.s32 s3, s9;
	s6 =	sadd.s32 @!p0 $0x88, s6;
	s7 =	simm.s32 @p2 $0x1082  }
0x22: {  	[simem:s7], [sflag:s8] =	dma.local @!p0 [hbm:s6], $0xF7A  }
0x23: {  	s9 =	sor.u32 $0xD0000000, s2;
	s6 =	simm.s32 $0x108;
	_ =	swait.ge @!p0 [sflag:s8], $0x0  }
0x24: {  	s3 =	sadd.s32 $0x88, s3;
	s6 =	simm.s32 @!p1 $0x1082;
	[sflag:s4] =	ssyncset.s32 $0xFFFFF086  }
0x25: {  	[simem:s6], [sflag:s4] =	dma.local [hbm:s3], $0xF7A  }
0x26: {  	[smem:$0x3F9A] =	sst s1;
	(tag) =	ssettag s2;
	_ =	strace s9  }
0x27: {  	s1 =	sld [smem:$0x3FAA]  }
0x28: {  	s2 =	sld [smem:$0x3FAB]  }
0x29: {  	s4 =	sld [smem:$0x3FAD]  }
0x2a: {  	p0 =	seq.s32 s5, $0x0;
	s5 =	sld [smem:$0x3FAE]  }
0x2b: {  	s6 =	sld [smem:$0x3FAF]  }
0x2c: {  	s7 =	sld [smem:$0x3FB0]  }
0x2d: {  	s3 =	simm.s32 $0x108;
	s8 =	sld [smem:$0x3FB1]  }
0x2e: {  	s3 =	simm.s32 @!p0 $0x1082;
	s9 =	sld [smem:$0x3FB2]  }
0x2f: {  	lr =	sadd.s32 s0, s3;
	s0 =	sld [smem:$0x3FA9]  }
0x30: {  	s3 =	sld [smem:$0x3FAC]  }
0x31: {  	[smem:$0x3FB5] =	sst s10  }
0x32: {  	s10 =	sld [smem:$0x3FB3];
	_ =	sdelay $0x3  }
0x33: {  	p0 =	seq.s32 s10, $0x1;
	s10 =	sld [smem:$0x3FB5];
	_ =	sdelay $0x3  }
0x34: {  	[smem:$0x3FB5] =	sst s10  }
0x35: {  	s10 =	sld [smem:$0x3FB4];
	_ =	sdelay $0x3  }
0x36: {  	p1 =	seq.s32 s10, $0x1;
	s10 =	sld [smem:$0x3FB5];
	_ =	sdelay $0x3  }
0x37: {  	[smem:$0x3FB5] =	sst s10  }
0x38: {  	s10 =	sld [smem:$0x3FB6]  }
0x39: {  	_ = 	snop;
	(pc) =	sbr.ind lr, $3  }
0x3a: {  	_ = 	snop  }
0x3b: {  	_ = 	snop  }
0x3c: {  	p2 =	seq.s32 s10, $0x1;
	s10 =	sld [smem:$0x3FB5]  }
0x3d: {  	_ =	shalt  }
0x3e: {  	_ =	shalt  }
0x3f: {  	_ =	shalt  }
0x40: {  	_ =	shalt  }
0x41: {  	_ =	shalt  }
0x42: {  	_ =	shalt  }
0x43: {  	_ =	shalt  }
0x44: {  	_ =	shalt  }
0x45: {  	_ =	shalt  }
0x46: {  	_ =	shalt  }
0x47: {  	_ =	shalt  }
0x48: {  	_ =	shalt  }
0x49: {  	_ =	shalt  }
0x4a: {  	_ =	shalt  }
0x4b: {  	_ =	shalt  }
0x4c: {  	_ =	shalt  }
0x4d: {  	_ =	shalt  }
0x4e: {  	_ =	shalt  }
0x4f: {  	_ =	shalt  }
0x50: {  	_ =	shalt  }
0x51: {  	_ =	shalt  }
0x52: {  	_ =	shalt  }
0x53: {  	_ =	shalt  }
0x54: {  	_ =	shalt  }
0x55: {  	_ =	shalt  }
0x56: {  	_ =	shalt  }
0x57: {  	_ =	shalt  }
0x58: {  	_ =	shalt  }
0x59: {  	_ =	shalt  }
0x5a: {  	_ =	shalt  }
0x5b: {  	_ =	shalt  }
0x5c: {  	_ =	shalt  }
0x5d: {  	_ =	shalt  }
0x5e: {  	_ =	shalt  }
0x5f: {  	_ =	shalt  }
0x60: {  	_ =	shalt  }
0x61: {  	_ =	shalt  }
0x62: {  	_ =	shalt  }
0x63: {  	_ =	shalt  }
0x64: {  	_ =	shalt  }
0x65: {  	_ =	shalt  }
0x66: {  	_ =	shalt  }
0x67: {  	_ =	shalt  }
0x68: {  	_ =	shalt  }
0x69: {  	_ =	shalt  }
0x6a: {  	_ =	shalt  }
0x6b: {  	_ =	shalt  }
0x6c: {  	_ =	shalt  }
0x6d: {  	_ =	shalt  }
0x6e: {  	_ =	shalt  }
0x6f: {  	_ =	shalt  }
0x70: {  	_ =	shalt  }
0x71: {  	_ =	shalt  }
0x72: {  	_ =	shalt  }
0x73: {  	_ =	shalt  }
0x74: {  	_ =	shalt  }
0x75: {  	_ =	shalt  }
0x76: {  	_ =	shalt  }
0x77: {  	_ =	shalt  }
0x78: {  	_ =	shalt  }
0x79: {  	_ =	shalt  }
0x7a: {  	_ =	shalt  }
0x7b: {  	_ =	shalt  }
0x7c: {  	_ =	shalt  }
0x7d: {  	_ =	shalt  }
0x7e: {  	_ =	shalt  }
0x7f: {  	_ =	shalt  }
0x80: {  	_ =	shalt  }
0x81: {  	_ =	shalt  }
0x82: {  	_ =	shalt  }
0x83: {  	_ =	shalt  }
0x84: {  	_ =	shalt  }
0x85: {  	_ =	shalt  }
0x86: {  	_ =	shalt  }
0x87: {  	_ =	shalt  }
.Lfunc_end0:
.L_simem_size_0:
called_computation_lowered:
.L_overlay_start_0:
0x88: {  	s2 =	sld [smem:$0x3FD9]  }
0x89: {  	s3 =	sld [smem:$0x3FFE];
	_ =	sdelay $0x1  }
0x8a: {  	s1 =	srdreg.scid  }
0x8b: {  	s0 =	sand.u32 $0x1, s1  }
0x8c: {  	s17 =	sshll.u32 s0, $0xA;
	s2 =	sadd.s32 s3, s2  }
0x8d: {  	s2 =	sadd.s32 s2, s17  }
0x8e: {  	[smem:$0x3FC1] =	sst s2  }
0x8f: {  	_ = 	snop  }
0x90: {  	s2 =	sld [smem:$0x3FD0];
	(tm) =	ssettm $0x1  }
0x91: {  	s18 =	sld [smem:$0x3FFB];
	_ =	sdelay $0x3  }
0x92: {  	_ =	strace s18  }
0x93: {  	s3 =	sld [smem:$0x3FFC];
	_ =	sdelay $0x3  }
0x94: {  	_ =	strace s3  }
0x95: {  	s3 =	sld [smem:$0x3FFD];
	_ =	sdelay $0x3  }
0x96: {  	_ =	strace s3  }
0x97: {  	_ =	strace $0x8FFFFFFF  }
0x98: {  	s19 =	sld [smem:$0x3FDB];
	_ =	sdelay $0x1  }
0x99: {  	s4 =	simm.s32 $_scs_section_size  }
0x9a: {  	s5 =	simm.s32 $_size__tile_overlayer_lowered;
	s6 =	simm.s32 $_tile_overlayer_lowered  }
0x9b: {  	s22 =	simm.s32 $0x1BFF;
	s21 =	sshll.u32 s6, $0x1;
	s3 =	sadd.s32 s4, s19  }
0x9c: {  	s7 =	simm.s32 $0x0;
	s20 =	sshll.u32 s5, $0x1;
	s5 =	sadd.s32 s21, s3  }
0x9d: {  	[timem:s7], [sflag:s22] =	dma.local [hbm:s5], s20  }
0x9e: {  	_ =	swait.ge [sflag:s22], s20  }
0x9f: {  	s4 =	ssub.s32 $0x0, s20;
	[sflag:s22] =	ssyncset.done $0x0  }
0xa0: {  	[sflag:s22] =	ssyncadd.s32 s4;
	_ =	sdelay $0x1  }
0xa1: {  	s23 =	simm.s32 $0x1B8B  }
0xa2: {  	_ =	swait.ge [sflag:s23], $0x1  }
0xa3: {  	[sflag:s23] =	ssyncset.done $0x0  }
0xa4: {  	s25 =	simm.s32 $0x1B8E;
	s24 =	sld [smem:$0x3FFE];
	[sflag:s23] =	ssyncadd.s32 $0xFFFFFFFF  }
0xa5: {  	s26 =	simm.s32 $execute0_lowered;
	[smem:$0x3FD2] =	sst s25  }
0xa6: {  	s5 =	sshll.u32 s26, $0x1;
	_ =	strace $0x80000046;
	[dreg:$0x1] =	wrdreg $0xFFFFFFFF  }
0xa7: {  	s28 =	simm.s32 $_size_execute0_lowered;
	s3 =	sadd.s32 s3, s5;
	[dreg:$0x0] =	wrdreg $0x0  }
0xa8: {  	s5 =	sshll.u32 s28, $0x1;
	[dreg:$0x2] =	wrdreg s3  }
0xa9: {  	[dreg:$0x3] =	wrdreg s5  }
0xaa: {  	[dreg:$0x4] =	wrdreg $0xC0  }
0xab: {  	_ =	task [dreg:s7], $0x5FFFF  }
0xac: {  	[dreg:$0x1] =	wrdreg $0xFFFFFFFF  }
0xad: {  	[dreg:$0x0] =	wrdreg $0x60  }
0xae: {  	[dreg:$0x2] =	wrdreg s24  }
0xaf: {  	[dreg:$0x3] =	wrdreg s2  }
0xb0: {  	[dreg:$0x4] =	wrdreg $0x72000  }
0xb1: {  	[dreg:$0x5] =	wrdreg $0x9  }
0xb2: {  	_ =	task.clear_ibuf [dreg:s7], $0x6FFFF;
	_ =	strace $0x90000046  }
0xb3: {  	s29 =	simm.s32 $0x9;
	_ =	strace $0x80000048  }
0xb4: {  	_ =	swait.ge [sflag:s29], $0x1  }
0xb5: {  	[sflag:s29] =	ssyncadd.s32 $0xFFFFFFFF  }
0xb6: {  	_ =	strace $0x90000048  }
0xb7: {  	_ =	sfence  }
0xb8: {  	s30 =	sld [smem:$0x0];
	_ =	sdelay $0x2  }
0xb9: {  	s31 =	sshll.u32 s1, $0xD;
	s1 =	sshrl.u32 s1, $0x2  }
0xba: {  	s3 =	sand.u32 $0x4000, s31;
	s1 =	sadd.s32 s1, s30  }
0xbb: {  	s0 =	sor.u32 s3, s0;
	s1 =	sshll.u32 s1, $0x11  }
0xbc: {  	s0 =	sor.u32 s1, s0  }
0xbd: {  	s0 =	sadd.s32 $0x8F2B, s0  }
0xbe: {  	[sflag:s0] =	ssyncadd.remote.s32 $0x1  }
0xbf: {  	_ =	sfence.sel $0xFFFF  }
0xc0: {  	[dreg:$0x0] =	wrdreg $0xFFFFFFFF;
	(pc) =	sbr.abs _section_cstart, $3  }
0xc1: {  	[dreg:$0x1] =	wrdreg $0xFFFFFFFF  }
0xc2: {  	_ =	task.clear_ibuf [dreg:s7], $0x2FFFF;
	_ =	strace $0x9FFFFFFF  }
0xc3: {  	(tm) =	ssettm $0x7FFFFFFF  }
tec
execute0_lowered:
.L_overlay_start_1:
0x0: {  	(tag) =	ssettag $0x1  }
0x1: {  	s0 =	rddreg [dreg:$0x0]  }
0x2: {  	s2 =	rddreg [dreg:$0x2];
	s1 =	srdreg.scid  }
0x3: {  	s4 =	simm.s32 $0x0;
	s12 =	stileid.u32;
	s16 =	simm.s32 $0x2  }
0x4: {  	s17 =	simm.s32 $0x6A00;
	s18 =	simm.s32 $0x80;
	s19 =	simm.s32 $0x100  }
0x5: {  	s20 =	simm.s32 $0x900;
	s28 =	simm.s32 $0x3900;
	s29 =	simm.s32 $0x4100  }
0x6: {  	s30 =	simm.s32 $0x4900;
	s31 =	simm.s32 $0x5100;
	s1 =	sand.u32 $0x1, s1  }
0x7: {  	[smem:$0x7FF] =	sst s4;
	s21 =	smul.u32 $0x14000, s12;
	s5 =	sadd.s32 $0x63800, s0  }
0x8: {  	s6 =	sadd.s32 $0x15600, s0;
	s7 =	sadd.s32 $0xB600, s0;
	s8 =	sadd.s32 $0x1800, s0  }
0x9: {  	s22 =	sadd.s32 $0x15400, s0;
	s10 =	sshll.u32 s12, $0x1;
	s11 =	smul.u32 $0x50000, s12  }
0xa: {  	p0 =	seq.s32 s12, $0xF;
	s4 =	simm.s32 $0x5600;
	s3 =	smul.u32 $0x138800, s1  }
0xb: {  	_ =	strace $0x80000047;
	[dreg:$0x4] =	wrdreg s22;
	s23 =	ssub.s32 $0x2, s1  }
0xc: {  	s1 =	sor.u32 s1, s10;
	s22 =	simm.s32 $0x1900;
	s9 =	sshrl.u32 s23, $0x1  }
0xd: {  	s25 =	sshrl.u32 s11, $0x2;
	s11 =	smul.u32 $0x2710, s1;
	s3 =	sadd.s32 s21, s3  }
0xe: {  	s24 =	ssub.s32 s23, s9;
	s9 =	simm.s32 $0x19;
	s12 =	sadd.s32 s25, s2  }
0xf: {  	s21 =	simm.s32 $0x1100;
	s23 =	simm.s32 $0x2100;
	s25 =	simm.s32 $0x2900  }
0x10: {  	s2 =	simm.s32 $0x0;
	s3 =	sshrl.u32 s3, $0x3;
	s9 =	simm.s32 @!p0 $0x28  }
0x11: {  	v3 =	vlaneseq.u32;
	s26 =	smax.u32 s24, $0x1;
	s0 =	sadd.s32 s3, s0;
	[dreg:$0x5] =	wrdreg s9  }
0x12: {  	v0 =	vimm.f32 $0.0e+00;
	vm0 =	vmmov $0xffff;
	v2 =	vshrl.u32 v3, $0x3;
	s24 =	simm.s32 $0x1;
	[dreg:$0x6] =	wrdreg s26;
	s0 =	sadd.s32 $0xB1A00, s0  }
0x13: {  	v1 =	vand.u32 $0x7, v3;
	v3 =	vor.u32 $0x8, v3;
	v2 =	vmul.u32 $0x8, v2;
	s26 =	simm.s32 $0x3100;
	[dreg:$0x7] =	wrdreg s0;
	s0 =	simm.s32 $0x28  }
.LBB2_1:
0x14: {  	[dreg:$0x8] =	wrdreg s2  }
0x15: {  	s1 =	simm.s32 $0x0;
	s15 =	rddreg [dreg:$0x4];
	s3 =	simm.s32 $0x5200  }
0x16: {  	[tilespmem:s3], [sflag:$0x2] =	stream.linear.gather [hbm4b:s15+s1], $0x400, $0x38;
	[tilespmem:$0x1B200] =	vst v63  }
0x17: {  	_ =	swait.ge [sflag:s16], $0x400  }
0x18: {  	[sflag:s16] =	ssyncset.done $0x0  }
0x19: {  	s1 =	simm.s32 $0x0;
	s3 =	simm.s32 $0x200;
	[sflag:s16] =	ssyncadd.s32 $0xFFFFFC00  }
.LBB2_2:
0x1a: {  	p0 =	sne.s32 s3, $0x1E00;
	[tilespmem:s1+$0x6A70] =	vst v0  }
0x1b: {  	[tilespmem:s1+$0x6A00] =	vst v0  }
0x1c: {  	[tilespmem:s1+$0x6A10] =	vst v0  }
.Ltmp0:
0x1d: {  	[tilespmem:s1+$0x6A20] =	vst v0;
	(pc) =	sbr.rel @p0 .LBB2_2-.Ltmp0, $4  }
0x1e: {  	[tilespmem:s1+$0x6A30] =	vst v0  }
0x1f: {  	[tilespmem:s1+$0x6A40] =	vst v0  }
0x20: {  	[tilespmem:s1+$0x6A50] =	vst v0  }
0x21: {  	[tilespmem:s1+$0x6A60] =	vst v0;
	s1 =	sshra.s32 s3, $0x2;
	s3 =	sadd.s32 $0x200, s3  }
0x22: {  	[tilespmem:s1+$0x6A70] =	vst v0  }
0x23: {  	[tilespmem:s1+$0x6A00] =	vst v0  }
0x24: {  	[tilespmem:s1+$0x6A10] =	vst v0  }
0x25: {  	[tilespmem:s1+$0x6A20] =	vst v0  }
0x26: {  	[tilespmem:s1+$0x6A30] =	vst v0  }
0x27: {  	[tilespmem:s1+$0x6A40] =	vst v0  }
0x28: {  	[tilespmem:s1+$0x6A50] =	vst v0  }
0x29: {  	[tilespmem:s1+$0x6A60] =	vst v0;
	s15 =	sadd.s32 $0x0, s12  }
0x2a: {  	[spmem:s15] =	stream.linear.scatter [tilespmem:s17], [sflag:$0x2], $0x800, $0x38;
	[tilespmem:$0x1B200] =	vst v63  }
0x2b: {  	s1 =	simm.s32 $0x2000;
	_ =	swait.ge [sflag:s16], $0x800  }
.LBB2_4:
0x2c: {  	s3 =	sshra.s32 s1, $0x2;
	[sflag:s16] =	ssyncset.done $0x0;
	p0 =	sne.s32 s1, $0x4E000  }
.Ltmp1:
0x2d: {  	s3 =	sadd.s32 s3, s12;
	[sflag:s16] =	ssyncadd.s32 $0xFFFFF800;
	(pc) =	sbr.rel @p0 .LBB2_4-.Ltmp1, $3  }
0x2e: {  	[spmem:s3] =	stream.linear.scatter [tilespmem:s17], [sflag:$0x2], $0x800, $0x38;
	[tilespmem:$0x1B200] =	vst v63  }
0x2f: {  	s1 =	sadd.s32 $0x2000, s1;
	_ =	sdelay $0x1  }
0x30: {  	_ =	swait.ge [sflag:s16], $0x800  }
0x31: {  	[sflag:s16] =	ssyncset.done $0x0  }
0x32: {  	[sflag:s16] =	ssyncadd.s32 $0xFFFFF800  }
0x33: {  	s3 =	simm.s32 $0x0;
	s9 =	simm.s32 $0x0;
	[bflag:$0x0] =	sbarrier.arrive $0xFFFF  }
.LBB2_6:
0x34: {  	s1 =	smul.u32 $0x28, s9;
	_ =	sdelay $0x1  }
0x35: {  	s1 =	sadd.s32 s11, s1  }
0x36: {  	s10 =	sshrl.u32 s1, $0x3  }
0x37: {  	s13 =	sadd.s32 s7, s10  }
0x38: {  	[tilespmem:s3], [sflag:$0x2] =	stream.linear.gather [hbm4b:s13+s3], $0x28, $0x38;
	[tilespmem:$0x1B200] =	vst v63  }
0x39: {  	_ =	swait.ge [sflag:s16], $0x28  }
0x3a: {  	[sflag:s16] =	ssyncset.done $0x0  }
0x3b: {  	s10 =	sadd.s32 s8, s10;
	[sflag:s16] =	ssyncadd.s32 $0xFFFFFFD8  }
0x3c: {  	[tilespmem:s18], [sflag:$0x2] =	stream.linear.gather [hbm4b:s10+s3], $0x28, $0x38;
	[tilespmem:$0x1B200] =	vst v63  }
0x3d: {  	_ =	swait.ge [sflag:s16], $0x28  }
0x3e: {  	[sflag:s16] =	ssyncset.done $0x0  }
0x3f: {  	[sflag:s16] =	ssyncadd.s32 $0xFFFFFFD8  }
0x40: {  	v4 =	vld [tilespmem:$0x0];
	_ =	sdelay $0x4  }
0x41: {  	v5 =	vshll.u32 v4, $0x1  }
0x42: {  	v4 =	vand.u32 $0x7, v4;
	v5 =	vand.u32 $0xFFFFFFF0, v5  }
0x43: {  	v4 =	vor.u32 v4, v5  }
0x44: {  	v5 =	vperm.xlane v4, v1;
	_ =	sdelay $0x1  }
0x45: {  	v4 =	vperm.xlane v4, v3;
	v5 =	vadd.s32 v2, v5;
	_ =	sdelay $0x1  }
0x46: {  	v4 =	vadd.s32 v2, v4;
	_ =	sdelay $0x2  }
0x47: {  	[tilespmem:s19], [sflag:$0x1] =	stream.indirect_vreg.gather [hbm4b:s5+s3], $0x80, v5, vm0, $0xb8;
	[tilespmem:$0x1B200] =	vst v63  }
0x48: {  	_ = 	snop  }
0x49: {  	[tilespmem:s20], [sflag:$0x1] =	stream.indirect_vreg.gather [hbm4b:s5+s3], $0x80, v4, vm0, $0xb8;
	[tilespmem:$0x1B200] =	vst v63  }
0x4a: {  	v4 =	vld [tilespmem:$0x10];
	_ =	sdelay $0x4  }
0x4b: {  	v5 =	vshll.u32 v4, $0x1  }
0x4c: {  	v4 =	vand.u32 $0x7, v4;
	v5 =	vand.u32 $0xFFFFFFF0, v5  }
0x4d: {  	v4 =	vor.u32 v4, v5  }
0x4e: {  	v5 =	vperm.xlane v4, v1;
	_ =	sdelay $0x1  }
0x4f: {  	v4 =	vperm.xlane v4, v3;
	v5 =	vadd.s32 v2, v5;
	_ =	sdelay $0x1  }
0x50: {  	v4 =	vadd.s32 v2, v4;
	_ =	sdelay $0x2  }
0x51: {  	[tilespmem:s21], [sflag:$0x1] =	stream.indirect_vreg.gather [hbm4b:s5+s3], $0x80, v5, vm0, $0xb8;
	[tilespmem:$0x1B200] =	vst v63  }
0x52: {  	_ = 	snop  }
0x53: {  	[tilespmem:s22], [sflag:$0x1] =	stream.indirect_vreg.gather [hbm4b:s5+s3], $0x80, v4, vm0, $0xb8;
	[tilespmem:$0x1B200] =	vst v63  }
0x54: {  	v4 =	vld.msk [tilespmem:$0x20], $0xff;
	_ =	sdelay $0x4  }
0x55: {  	v5 =	vshll.u32 v4, $0x1  }
0x56: {  	v4 =	vand.u32 $0x7, v4;
	v5 =	vand.u32 $0xFFFFFFF0, v5  }
0x57: {  	v4 =	vor.u32 v4, v5  }
0x58: {  	v4 =	vperm.xlane v4, v1;
	_ =	sdelay $0x1  }
0x59: {  	v4 =	vadd.s32 v2, v4;
	_ =	sdelay $0x4  }
0x5a: {  	[tilespmem:s23], [sflag:$0x1] =	stream.indirect_vreg.gather [hbm4b:s5+s3], $0x80, v4, vm0, $0xb8;
	[tilespmem:$0x1B200] =	vst v63  }
0x5b: {  	_ =	swait.ge [sflag:s24], $0x2800  }
0x5c: {  	[sflag:s24] =	ssyncset.done $0x0  }
0x5d: {  	[sflag:s24] =	ssyncadd.s32 $0xFFFFD800  }
0x5e: {  	v4 =	vld [tilespmem:$0x80];
	_ =	sdelay $0x4  }
0x5f: {  	v5 =	vshll.u32 v4, $0x1  }
0x60: {  	v4 =	vand.u32 $0x7, v4;
	v5 =	vand.u32 $0xFFFFFFF0, v5  }
0x61: {  	v4 =	vor.u32 v4, v5  }
0x62: {  	v5 =	vperm.xlane v4, v1;
	_ =	sdelay $0x1  }
0x63: {  	v4 =	vperm.xlane v4, v3;
	v5 =	vadd.s32 v2, v5;
	_ =	sdelay $0x1  }
0x64: {  	v4 =	vadd.s32 v2, v4;
	_ =	sdelay $0x2  }
0x65: {  	[tilespmem:s25], [sflag:$0x1] =	stream.indirect_vreg.gather [hbm4b:s6+s3], $0x80, v5, vm0, $0xb8;
	[tilespmem:$0x1B200] =	vst v63  }
0x66: {  	_ = 	snop  }
0x67: {  	[tilespmem:s26], [sflag:$0x1] =	stream.indirect_vreg.gather [hbm4b:s6+s3], $0x80, v4, vm0, $0xb8;
	[tilespmem:$0x1B200] =	vst v63  }
0x68: {  	v4 =	vld [tilespmem:$0x90];
	_ =	sdelay $0x4  }
0x69: {  	v5 =	vshll.u32 v4, $0x1  }
0x6a: {  	v4 =	vand.u32 $0x7, v4;
	v5 =	vand.u32 $0xFFFFFFF0, v5  }
0x6b: {  	v4 =	vor.u32 v4, v5  }
0x6c: {  	v5 =	vperm.xlane v4, v1;
	_ =	sdelay $0x1  }
0x6d: {  	v4 =	vperm.xlane v4, v3;
	v5 =	vadd.s32 v2, v5;
	_ =	sdelay $0x1  }
0x6e: {  	v4 =	vadd.s32 v2, v4;
	_ =	sdelay $0x2  }
0x6f: {  	[tilespmem:s28], [sflag:$0x1] =	stream.indirect_vreg.gather [hbm4b:s6+s3], $0x80, v5, vm0, $0xb8;
	[tilespmem:$0x1B200] =	vst v63  }
0x70: {  	_ = 	snop  }
0x71: {  	[tilespmem:s29], [sflag:$0x1] =	stream.indirect_vreg.gather [hbm4b:s6+s3], $0x80, v4, vm0, $0xb8;
	[tilespmem:$0x1B200] =	vst v63  }
0x72: {  	v4 =	vld.msk [tilespmem:$0xA0], $0xff;
	_ =	sdelay $0x4  }
0x73: {  	v5 =	vshll.u32 v4, $0x1  }
0x74: {  	v4 =	vand.u32 $0x7, v4;
	v5 =	vand.u32 $0xFFFFFFF0, v5  }
0x75: {  	v4 =	vor.u32 v4, v5  }
0x76: {  	v4 =	vperm.xlane v4, v1;
	_ =	sdelay $0x1  }
0x77: {  	v4 =	vadd.s32 v2, v4;
	_ =	sdelay $0x4  }
0x78: {  	[tilespmem:s30], [sflag:$0x1] =	stream.indirect_vreg.gather [hbm4b:s6+s3], $0x80, v4, vm0, $0xb8;
	[tilespmem:$0x1B200] =	vst v63  }
0x79: {  	_ =	swait.ge [sflag:s24], $0x2800  }
0x7a: {  	[sflag:s24] =	ssyncset.done $0x0  }
0x7b: {  	[sflag:s24] =	ssyncadd.s32 $0xFFFFD800  }
0x7c: {  	s1 =	sshrl.u32 s1, $0x1;
	s2 =	rddreg [dreg:$0x1]  }
0x7d: {  	s1 =	sadd.s32 s2, s1  }
0x7e: {  	[tilespmem:s31], [sflag:$0x2] =	stream.linear.gather [hbm4b:s1+s3], $0xA0, $0x38;
	[tilespmem:$0x1B200] =	vst v63  }
0x7f: {  	_ =	swait.ge [sflag:s16], $0xA0  }
0x80: {  	s14 =	simm.s32 $0x5640;
	s15 =	simm.s32 $0x0;
	[sflag:s16] =	ssyncset.done $0x0  }
0x81: {  	s13 =	simm.s32 $0x3;
	s10 =	simm.s32 $0x0;
	[sflag:s16] =	ssyncadd.s32 $0xFFFFFF60  }
.LBB2_7:
0x82: {  	s1 =	sadd.s32 $0xFFFFFFFD, s13  }
0x83: {  	v4 =	vmov s1  }
0x84: {  	s2 =	sadd.s32 $0xFFFFFFFE, s13;
	v4 =	vand.u32 $0xFFFFFFFC, v4  }
0x85: {  	v5 =	vmov s2;
	v4 =	vbroadcast v4, $0x0  }
0x86: {  	s2 =	sadd.s32 $0xFFFFFFFF, s13;
	v5 =	vand.u32 $0xFFFFFFFD, v5  }
0x87: {  	s1 =	sand.u32 $0x3800, s15;
	v6 =	vmov s2;
	s2 =	sand.u32 $0x380, s10;
	v5 =	vbroadcast v5, $0x0  }
0x88: {  	v11 =	vld [tilespmem:$0x5200];
	v6 =	vand.u32 $0xFFFFFFFE, v6;
	s1 =	sor.u32 s2, s1  }
0x89: {  	v6 =	vbroadcast v6, $0x0;
	v8 =	vld [tilespmem:s1+$0x100]  }
0x8a: {  	v9 =	vld [tilespmem:s1+$0x2900]  }
0x8b: {  	v4 =	vld.idx.msk [tilespmem:v4+s31+$0x0], $0xffff  }
0x8c: {  	v10 =	vmov s13;
	v12 =	vld [tilespmem:$0x5280]  }
0x8d: {  	v7 =	vld.idx.msk [tilespmem:v5+s31+$0x0], $0xffff  }
0x8e: {  	v13 =	vld [tilespmem:$0x5300]  }
0x8f: {  	v6 =	vld.idx.msk [tilespmem:v6+s31+$0x0], $0xffff  }
0x90: {  	v25 =	vld [tilespmem:$0x5380];
	v8 =	vadd.f32 v9, v8;
	v24 =	vmul.f32 v11, v4  }
0x91: {  	v5 =	vld.idx.msk [tilespmem:v10+s31+$0x0], $0xffff  }
0x92: {  	v26 =	vmul.f32 v12, v7;
	v8 =	vadd.f32 v24, v8;
	_ =	sdelay $0x1  }
0x93: {  	v27 =	vmul.f32 v13, v6;
	v8 =	vadd.f32 v26, v8;
	_ =	sdelay $0x1  }
0x94: {  	v28 =	vmul.f32 v25, v5;
	v8 =	vadd.f32 v27, v8;
	_ =	sdelay $0x1  }
0x95: {  	v8 =	vadd.f32 v28, v8;
	_ =	sdelay $0x1  }
0x96: {  	v9 =	vand.u32 $0x7FFFFFFF, v8  }
0x97: {  	v9 =	vsub.f32 $0.0e+00, v9;
	_ =	sdelay $0x1  }
0x98: {  	v9 =	vmul.f32 $1.442695020e+00, v9  }
0x99: {  	v31 =	vld [tilespmem:$0x5400]  }
0x9a: {  	v29 =	vld [tilespmem:s1+$0x500];
	(erf) = vpow2.f32 v9  }
0x9b: {  	v30 =	vld [tilespmem:s1+$0x2D00];
	_ =	sdelay $0x1  }
0x9c: {  	v32 =	vld [tilespmem:$0x5480];
	_ =	sdelay $0x1  }
0x9d: {  	v33 =	vld [tilespmem:$0x5500]  }
0x9e: {  	v10 =	vadd.f32 v30, v29;
	v9 =	vmul.f32 v31, v4  }
0x9f: {  	v34 =	vld [tilespmem:$0x5580]  }
0xa0: {  	v35 =	vmul.f32 v32, v7;
	v9 =	vadd.f32 v9, v10  }
0xa1: {  	v36 =	vpop (erf)  }
0xa2: {  	v37 =	vmul.f32 v33, v6;
	v9 =	vadd.f32 v35, v9;
	v38 =	vadd.f32 $2.000000000e+00, v36;
	_ =	sdelay $0x1  }
0xa3: {  	v39 =	vmul.f32 v34, v5;
	v9 =	vadd.f32 v37, v9;
	(erf) = vrcp.f32 v38;
	_ =	sdelay $0x1  }
0xa4: {  	v9 =	vadd.f32 v39, v9;
	_ =	sdelay $0x1  }
0xa5: {  	v9 =	vsub.f32 $0.0e+00, v9;
	_ =	sdelay $0x1  }
0xa6: {  	v9 =	vmul.f32 $1.442695020e+00, v9;
	_ =	sdelay $0x1  }
0xa7: {  	(erf) = vpow2.f32 v9  }
0xa8: {  	v40 =	vpop (erf)  }
0xa9: {  	v9 =	vmul.f32 v40, v36;
	_ =	sdelay $0x1  }
0xaa: {  	v41 =	vmul.f32 v9, v9;
	_ =	sdelay $0x1  }
0xab: {  	v42 =	vmul.f32 $2.857142980e-01, v41;
	_ =	sdelay $0x1  }
0xac: {  	v11 =	vadd.f32 $4.000000060e-01, v42  }
0xad: {  	v43 =	vpop (erf)  }
0xae: {  	v12 =	vadd.f32 $1.000000000e+00, v43;
	v11 =	vmul.f32 v11, v41;
	_ =	sdelay $0x1  }
0xaf: {  	(erf) = vrcp.f32 v12;
	v11 =	vadd.f32 $6.666666860e-01, v11;
	_ =	sdelay $0x1  }
0xb0: {  	v10 =	vmul.f32 v11, v41;
	_ =	sdelay $0x1  }
0xb1: {  	v10 =	vadd.f32 $2.000000000e+00, v10;
	_ =	sdelay $0x1  }
0xb2: {  	v9 =	vmul.f32 v10, v9  }
0xb3: {  	v8 =	vmax.f32 v8, $0.0e+00  }
0xb4: {  	v8 =	vadd.f32 v9, v8  }
0xb5: {  	v44 =	vpop (erf)  }
0xb6: {  	v8 =	vmul.f32 v8, v44;
	_ =	sdelay $0x1  }
0xb7: {  	[tilespmem:s14+$0xFFFFFFC0] =	vst v8  }
0xb8: {  	v8 =	vld [tilespmem:s1+$0x110]  }
0xb9: {  	v45 =	vld [tilespmem:s1+$0x2910]  }
0xba: {  	v46 =	vld [tilespmem:$0x5210];
	_ =	sdelay $0x1  }
0xbb: {  	v47 =	vld [tilespmem:$0x5290];
	_ =	sdelay $0x1  }
0xbc: {  	v48 =	vld [tilespmem:$0x5310]  }
0xbd: {  	v8 =	vadd.f32 v45, v8;
	v49 =	vmul.f32 v46, v4  }
0xbe: {  	v50 =	vld [tilespmem:$0x5390]  }
0xbf: {  	v51 =	vmul.f32 v47, v7;
	v8 =	vadd.f32 v49, v8;
	_ =	sdelay $0x1  }
0xc0: {  	v52 =	vmul.f32 v48, v6;
	v8 =	vadd.f32 v51, v8;
	_ =	sdelay $0x1  }
0xc1: {  	v53 =	vmul.f32 v50, v5;
	v8 =	vadd.f32 v52, v8;
	_ =	sdelay $0x1  }
0xc2: {  	v8 =	vadd.f32 v53, v8;
	_ =	sdelay $0x1  }
0xc3: {  	v9 =	vand.u32 $0x7FFFFFFF, v8  }
0xc4: {  	v9 =	vsub.f32 $0.0e+00, v9;
	_ =	sdelay $0x1  }
0xc5: {  	v9 =	vmul.f32 $1.442695020e+00, v9  }
0xc6: {  	v54 =	vld [tilespmem:s1+$0x510]  }
0xc7: {  	v55 =	vld [tilespmem:s1+$0x2D10];
	(erf) = vpow2.f32 v9  }
0xc8: {  	v56 =	vld [tilespmem:$0x5410];
	_ =	sdelay $0x1  }
0xc9: {  	v57 =	vld [tilespmem:$0x5490];
	_ =	sdelay $0x1  }
0xca: {  	v58 =	vld [tilespmem:$0x5510]  }
0xcb: {  	v10 =	vadd.f32 v55, v54;
	v9 =	vmul.f32 v56, v4  }
0xcc: {  	v59 =	vld [tilespmem:$0x5590]  }
0xcd: {  	v60 =	vmul.f32 v57, v7;
	v9 =	vadd.f32 v9, v10  }
0xce: {  	v61 =	vpop (erf)  }
0xcf: {  	v62 =	vmul.f32 v58, v6;
	v9 =	vadd.f32 v60, v9;
	v63 =	vadd.f32 $2.000000000e+00, v61;
	_ =	sdelay $0x1  }
0xd0: {  	v14 =	vmul.f32 v59, v5;
	v9 =	vadd.f32 v62, v9;
	(erf) = vrcp.f32 v63;
	_ =	sdelay $0x1  }
0xd1: {  	v9 =	vadd.f32 v14, v9;
	_ =	sdelay $0x1  }
0xd2: {  	v9 =	vsub.f32 $0.0e+00, v9;
	_ =	sdelay $0x1  }
0xd3: {  	v9 =	vmul.f32 $1.442695020e+00, v9;
	_ =	sdelay $0x1  }
0xd4: {  	(erf) = vpow2.f32 v9  }
0xd5: {  	v15 =	vpop (erf)  }
0xd6: {  	v9 =	vmul.f32 v15, v61;
	_ =	sdelay $0x1  }
0xd7: {  	v16 =	vmul.f32 v9, v9;
	_ =	sdelay $0x1  }
0xd8: {  	v17 =	vmul.f32 $2.857142980e-01, v16;
	_ =	sdelay $0x1  }
0xd9: {  	v11 =	vadd.f32 $4.000000060e-01, v17  }
0xda: {  	v18 =	vpop (erf)  }
0xdb: {  	v12 =	vadd.f32 $1.000000000e+00, v18;
	v11 =	vmul.f32 v11, v16;
	_ =	sdelay $0x1  }
0xdc: {  	(erf) = vrcp.f32 v12;
	v11 =	vadd.f32 $6.666666860e-01, v11;
	_ =	sdelay $0x1  }
0xdd: {  	v10 =	vmul.f32 v11, v16;
	_ =	sdelay $0x1  }
0xde: {  	v10 =	vadd.f32 $2.000000000e+00, v10;
	_ =	sdelay $0x1  }
0xdf: {  	v9 =	vmul.f32 v10, v9  }
0xe0: {  	v8 =	vmax.f32 v8, $0.0e+00  }
0xe1: {  	v8 =	vadd.f32 v9, v8  }
0xe2: {  	v19 =	vpop (erf)  }
0xe3: {  	v8 =	vmul.f32 v8, v19;
	_ =	sdelay $0x1  }
0xe4: {  	[tilespmem:s14+$0xFFFFFFD0] =	vst v8  }
0xe5: {  	v8 =	vld [tilespmem:s1+$0x120]  }
0xe6: {  	v20 =	vld [tilespmem:s1+$0x2920]  }
0xe7: {  	v21 =	vld [tilespmem:$0x5220];
	_ =	sdelay $0x1  }
0xe8: {  	v22 =	vld [tilespmem:$0x52A0];
	_ =	sdelay $0x1  }
0xe9: {  	v23 =	vld [tilespmem:$0x5320]  }
0xea: {  	v8 =	vadd.f32 v20, v8;
	v24 =	vmul.f32 v21, v4  }
0xeb: {  	v25 =	vld [tilespmem:$0x53A0]  }
0xec: {  	v26 =	vmul.f32 v22, v7;
	v8 =	vadd.f32 v24, v8;
	_ =	sdelay $0x1  }
0xed: {  	v27 =	vmul.f32 v23, v6;
	v8 =	vadd.f32 v26, v8;
	_ =	sdelay $0x1  }
0xee: {  	v28 =	vmul.f32 v25, v5;
	v8 =	vadd.f32 v27, v8;
	_ =	sdelay $0x1  }
0xef: {  	v8 =	vadd.f32 v28, v8;
	_ =	sdelay $0x1  }
0xf0: {  	v9 =	vand.u32 $0x7FFFFFFF, v8  }
0xf1: {  	v9 =	vsub.f32 $0.0e+00, v9;
	_ =	sdelay $0x1  }
0xf2: {  	v9 =	vmul.f32 $1.442695020e+00, v9  }
0xf3: {  	v29 =	vld [tilespmem:s1+$0x520]  }
0xf4: {  	v30 =	vld [tilespmem:s1+$0x2D20];
	(erf) = vpow2.f32 v9  }
0xf5: {  	v31 =	vld [tilespmem:$0x5420];
	_ =	sdelay $0x1  }
0xf6: {  	v32 =	vld [tilespmem:$0x54A0];
	_ =	sdelay $0x1  }
0xf7: {  	v33 =	vld [tilespmem:$0x5520]  }
0xf8: {  	v10 =	vadd.f32 v30, v29;
	v9 =	vmul.f32 v31, v4  }
0xf9: {  	v34 =	vld [tilespmem:$0x55A0]  }
0xfa: {  	v35 =	vmul.f32 v32, v7;
	v9 =	vadd.f32 v9, v10  }
0xfb: {  	v36 =	vpop (erf)  }
0xfc: {  	v37 =	vmul.f32 v33, v6;
	v9 =	vadd.f32 v35, v9;
	v38 =	vadd.f32 $2.000000000e+00, v36;
	_ =	sdelay $0x1  }
0xfd: {  	v39 =	vmul.f32 v34, v5;
	v9 =	vadd.f32 v37, v9;
	(erf) = vrcp.f32 v38;
	_ =	sdelay $0x1  }
0xfe: {  	v9 =	vadd.f32 v39, v9;
	_ =	sdelay $0x1  }
0xff: {  	v9 =	vsub.f32 $0.0e+00, v9;
	_ =	sdelay $0x1  }
0x100: {  	v9 =	vmul.f32 $1.442695020e+00, v9;
	_ =	sdelay $0x1  }
0x101: {  	(erf) = vpow2.f32 v9  }
0x102: {  	v40 =	vpop (erf)  }
0x103: {  	v9 =	vmul.f32 v40, v36;
	_ =	sdelay $0x1  }
0x104: {  	v41 =	vmul.f32 v9, v9;
	_ =	sdelay $0x1  }
0x105: {  	v42 =	vmul.f32 $2.857142980e-01, v41;
	_ =	sdelay $0x1  }
0x106: {  	v11 =	vadd.f32 $4.000000060e-01, v42  }
0x107: {  	v43 =	vpop (erf)  }
0x108: {  	v12 =	vadd.f32 $1.000000000e+00, v43;
	v11 =	vmul.f32 v11, v41;
	_ =	sdelay $0x1  }
0x109: {  	(erf) = vrcp.f32 v12;
	v11 =	vadd.f32 $6.666666860e-01, v11;
	_ =	sdelay $0x1  }
0x10a: {  	v10 =	vmul.f32 v11, v41;
	_ =	sdelay $0x1  }
0x10b: {  	v10 =	vadd.f32 $2.000000000e+00, v10;
	_ =	sdelay $0x1  }
0x10c: {  	v9 =	vmul.f32 v10, v9  }
0x10d: {  	v8 =	vmax.f32 v8, $0.0e+00  }
0x10e: {  	v8 =	vadd.f32 v9, v8  }
0x10f: {  	v44 =	vpop (erf)  }
0x110: {  	v8 =	vmul.f32 v8, v44;
	_ =	sdelay $0x1  }
0x111: {  	[tilespmem:s14+$0xFFFFFFE0] =	vst v8  }
0x112: {  	v8 =	vld [tilespmem:s1+$0x130]  }
0x113: {  	v45 =	vld [tilespmem:s1+$0x2930]  }
0x114: {  	v46 =	vld [tilespmem:$0x5230];
	_ =	sdelay $0x1  }
0x115: {  	v47 =	vld [tilespmem:$0x52B0];
	_ =	sdelay $0x1  }
0x116: {  	v48 =	vld [tilespmem:$0x5330]  }
0x117: {  	v8 =	vadd.f32 v45, v8;
	v49 =	vmul.f32 v46, v4  }
0x118: {  	v50 =	vld [tilespmem:$0x53B0]  }
0x119: {  	v51 =	vmul.f32 v47, v7;
	v8 =	vadd.f32 v49, v8;
	_ =	sdelay $0x1  }
0x11a: {  	v52 =	vmul.f32 v48, v6;
	v8 =	vadd.f32 v51, v8;
	_ =	sdelay $0x1  }
0x11b: {  	v53 =	vmul.f32 v50, v5;
	v8 =	vadd.f32 v52, v8;
	_ =	sdelay $0x1  }
0x11c: {  	v8 =	vadd.f32 v53, v8;
	_ =	sdelay $0x1  }
0x11d: {  	v9 =	vand.u32 $0x7FFFFFFF, v8  }
0x11e: {  	v9 =	vsub.f32 $0.0e+00, v9;
	_ =	sdelay $0x1  }
0x11f: {  	v9 =	vmul.f32 $1.442695020e+00, v9  }
0x120: {  	v54 =	vld [tilespmem:s1+$0x530]  }
0x121: {  	v55 =	vld [tilespmem:s1+$0x2D30];
	(erf) = vpow2.f32 v9  }
0x122: {  	v56 =	vld [tilespmem:$0x5430];
	_ =	sdelay $0x1  }
0x123: {  	v57 =	vld [tilespmem:$0x54B0];
	_ =	sdelay $0x1  }
0x124: {  	v58 =	vld [tilespmem:$0x5530]  }
0x125: {  	v10 =	vadd.f32 v55, v54;
	v9 =	vmul.f32 v56, v4  }
0x126: {  	v59 =	vld [tilespmem:$0x55B0]  }
0x127: {  	v60 =	vmul.f32 v57, v7;
	v9 =	vadd.f32 v9, v10  }
0x128: {  	v61 =	vpop (erf)  }
0x129: {  	v62 =	vmul.f32 v58, v6;
	v9 =	vadd.f32 v60, v9;
	v63 =	vadd.f32 $2.000000000e+00, v61;
	_ =	sdelay $0x1  }
0x12a: {  	v14 =	vmul.f32 v59, v5;
	v9 =	vadd.f32 v62, v9;
	(erf) = vrcp.f32 v63;
	_ =	sdelay $0x1  }
0x12b: {  	v9 =	vadd.f32 v14, v9;
	_ =	sdelay $0x1  }
0x12c: {  	v9 =	vsub.f32 $0.0e+00, v9;
	_ =	sdelay $0x1  }
0x12d: {  	v9 =	vmul.f32 $1.442695020e+00, v9;
	_ =	sdelay $0x1  }
0x12e: {  	(erf) = vpow2.f32 v9  }
0x12f: {  	v15 =	vpop (erf)  }
0x130: {  	v9 =	vmul.f32 v15, v61;
	_ =	sdelay $0x1  }
0x131: {  	v16 =	vmul.f32 v9, v9;
	_ =	sdelay $0x1  }
0x132: {  	v17 =	vmul.f32 $2.857142980e-01, v16;
	_ =	sdelay $0x1  }
0x133: {  	v11 =	vadd.f32 $4.000000060e-01, v17  }
0x134: {  	v18 =	vpop (erf)  }
0x135: {  	v12 =	vadd.f32 $1.000000000e+00, v18;
	v11 =	vmul.f32 v11, v16;
	_ =	sdelay $0x1  }
0x136: {  	(erf) = vrcp.f32 v12;
	v11 =	vadd.f32 $6.666666860e-01, v11;
	_ =	sdelay $0x1  }
0x137: {  	v10 =	vmul.f32 v11, v16;
	_ =	sdelay $0x1  }
0x138: {  	v10 =	vadd.f32 $2.000000000e+00, v10;
	_ =	sdelay $0x1  }
0x139: {  	v9 =	vmul.f32 v10, v9  }
0x13a: {  	v8 =	vmax.f32 v8, $0.0e+00  }
0x13b: {  	v8 =	vadd.f32 v9, v8  }
0x13c: {  	v19 =	vpop (erf)  }
0x13d: {  	v8 =	vmul.f32 v8, v19;
	_ =	sdelay $0x1  }
0x13e: {  	[tilespmem:s14+$0xFFFFFFF0] =	vst v8  }
0x13f: {  	v8 =	vld [tilespmem:s1+$0x140]  }
0x140: {  	v20 =	vld [tilespmem:s1+$0x2940]  }
0x141: {  	v21 =	vld [tilespmem:$0x5240];
	_ =	sdelay $0x1  }
0x142: {  	v22 =	vld [tilespmem:$0x52C0];
	_ =	sdelay $0x1  }
0x143: {  	v23 =	vld [tilespmem:$0x5340]  }
0x144: {  	v8 =	vadd.f32 v20, v8;
	v24 =	vmul.f32 v21, v4  }
0x145: {  	v25 =	vld [tilespmem:$0x53C0]  }
0x146: {  	v26 =	vmul.f32 v22, v7;
	v8 =	vadd.f32 v24, v8;
	_ =	sdelay $0x1  }
0x147: {  	v27 =	vmul.f32 v23, v6;
	v8 =	vadd.f32 v26, v8;
	_ =	sdelay $0x1  }
0x148: {  	v28 =	vmul.f32 v25, v5;
	v8 =	vadd.f32 v27, v8;
	_ =	sdelay $0x1  }
0x149: {  	v8 =	vadd.f32 v28, v8;
	_ =	sdelay $0x1  }
0x14a: {  	v9 =	vand.u32 $0x7FFFFFFF, v8  }
0x14b: {  	v9 =	vsub.f32 $0.0e+00, v9;
	_ =	sdelay $0x1  }
0x14c: {  	v9 =	vmul.f32 $1.442695020e+00, v9  }
0x14d: {  	v29 =	vld [tilespmem:s1+$0x540]  }
0x14e: {  	v30 =	vld [tilespmem:s1+$0x2D40];
	(erf) = vpow2.f32 v9  }
0x14f: {  	v31 =	vld [tilespmem:$0x5440];
	_ =	sdelay $0x1  }
0x150: {  	v32 =	vld [tilespmem:$0x54C0];
	_ =	sdelay $0x1  }
0x151: {  	v33 =	vld [tilespmem:$0x5540]  }
0x152: {  	v10 =	vadd.f32 v30, v29;
	v9 =	vmul.f32 v31, v4  }
0x153: {  	v34 =	vld [tilespmem:$0x55C0]  }
0x154: {  	v35 =	vmul.f32 v32, v7;
	v9 =	vadd.f32 v9, v10  }
0x155: {  	v36 =	vpop (erf)  }
0x156: {  	v37 =	vmul.f32 v33, v6;
	v9 =	vadd.f32 v35, v9;
	v38 =	vadd.f32 $2.000000000e+00, v36;
	_ =	sdelay $0x1  }
0x157: {  	v39 =	vmul.f32 v34, v5;
	v9 =	vadd.f32 v37, v9;
	(erf) = vrcp.f32 v38;
	_ =	sdelay $0x1  }
0x158: {  	v9 =	vadd.f32 v39, v9;
	_ =	sdelay $0x1  }
0x159: {  	v9 =	vsub.f32 $0.0e+00, v9;
	_ =	sdelay $0x1  }
0x15a: {  	v9 =	vmul.f32 $1.442695020e+00, v9;
	_ =	sdelay $0x1  }
0x15b: {  	(erf) = vpow2.f32 v9  }
0x15c: {  	v40 =	vpop (erf)  }
0x15d: {  	v9 =	vmul.f32 v40, v36;
	_ =	sdelay $0x1  }
0x15e: {  	v41 =	vmul.f32 v9, v9;
	_ =	sdelay $0x1  }
0x15f: {  	v42 =	vmul.f32 $2.857142980e-01, v41;
	_ =	sdelay $0x1  }
0x160: {  	v11 =	vadd.f32 $4.000000060e-01, v42  }
0x161: {  	v43 =	vpop (erf)  }
0x162: {  	v12 =	vadd.f32 $1.000000000e+00, v43;
	v11 =	vmul.f32 v11, v41;
	_ =	sdelay $0x1  }
0x163: {  	(erf) = vrcp.f32 v12;
	v11 =	vadd.f32 $6.666666860e-01, v11;
	_ =	sdelay $0x1  }
0x164: {  	v10 =	vmul.f32 v11, v41;
	_ =	sdelay $0x1  }
0x165: {  	v10 =	vadd.f32 $2.000000000e+00, v10;
	_ =	sdelay $0x1  }
0x166: {  	v9 =	vmul.f32 v10, v9  }
0x167: {  	v8 =	vmax.f32 v8, $0.0e+00  }
0x168: {  	v8 =	vadd.f32 v9, v8  }
0x169: {  	v44 =	vpop (erf)  }
0x16a: {  	v8 =	vmul.f32 v8, v44;
	_ =	sdelay $0x1  }
0x16b: {  	[tilespmem:s14+$0x0] =	vst v8  }
0x16c: {  	v8 =	vld [tilespmem:s1+$0x150]  }
0x16d: {  	v45 =	vld [tilespmem:s1+$0x2950]  }
0x16e: {  	v46 =	vld [tilespmem:$0x5250];
	_ =	sdelay $0x1  }
0x16f: {  	v47 =	vld [tilespmem:$0x52D0];
	_ =	sdelay $0x1  }
0x170: {  	v48 =	vld [tilespmem:$0x5350]  }
0x171: {  	v8 =	vadd.f32 v45, v8;
	v49 =	vmul.f32 v46, v4  }
0x172: {  	v50 =	vld [tilespmem:$0x53D0]  }
0x173: {  	v51 =	vmul.f32 v47, v7;
	v8 =	vadd.f32 v49, v8;
	_ =	sdelay $0x1  }
0x174: {  	v52 =	vmul.f32 v48, v6;
	v8 =	vadd.f32 v51, v8;
	_ =	sdelay $0x1  }
0x175: {  	v53 =	vmul.f32 v50, v5;
	v8 =	vadd.f32 v52, v8;
	_ =	sdelay $0x1  }
0x176: {  	v8 =	vadd.f32 v53, v8;
	_ =	sdelay $0x1  }
0x177: {  	v9 =	vand.u32 $0x7FFFFFFF, v8  }
0x178: {  	v9 =	vsub.f32 $0.0e+00, v9;
	_ =	sdelay $0x1  }
0x179: {  	v9 =	vmul.f32 $1.442695020e+00, v9  }
0x17a: {  	v54 =	vld [tilespmem:s1+$0x550]  }
0x17b: {  	v55 =	vld [tilespmem:s1+$0x2D50];
	(erf) = vpow2.f32 v9  }
0x17c: {  	v56 =	vld [tilespmem:$0x5450];
	_ =	sdelay $0x1  }
0x17d: {  	v57 =	vld [tilespmem:$0x54D0];
	_ =	sdelay $0x1  }
0x17e: {  	v58 =	vld [tilespmem:$0x5550]  }
0x17f: {  	v10 =	vadd.f32 v55, v54;
	v9 =	vmul.f32 v56, v4  }
0x180: {  	v59 =	vld [tilespmem:$0x55D0]  }
0x181: {  	v60 =	vmul.f32 v57, v7;
	v9 =	vadd.f32 v9, v10  }
0x182: {  	v61 =	vpop (erf)  }
0x183: {  	v62 =	vmul.f32 v58, v6;
	v9 =	vadd.f32 v60, v9;
	v63 =	vadd.f32 $2.000000000e+00, v61;
	_ =	sdelay $0x1  }
0x184: {  	v14 =	vmul.f32 v59, v5;
	v9 =	vadd.f32 v62, v9;
	(erf) = vrcp.f32 v63;
	_ =	sdelay $0x1  }
0x185: {  	v9 =	vadd.f32 v14, v9;
	_ =	sdelay $0x1  }
0x186: {  	v9 =	vsub.f32 $0.0e+00, v9;
	_ =	sdelay $0x1  }
0x187: {  	v9 =	vmul.f32 $1.442695020e+00, v9;
	_ =	sdelay $0x1  }
0x188: {  	(erf) = vpow2.f32 v9  }
0x189: {  	v15 =	vpop (erf)  }
0x18a: {  	v9 =	vmul.f32 v15, v61;
	_ =	sdelay $0x1  }
0x18b: {  	v16 =	vmul.f32 v9, v9;
	_ =	sdelay $0x1  }
0x18c: {  	v17 =	vmul.f32 $2.857142980e-01, v16;
	_ =	sdelay $0x1  }
0x18d: {  	v11 =	vadd.f32 $4.000000060e-01, v17  }
0x18e: {  	v18 =	vpop (erf)  }
0x18f: {  	v12 =	vadd.f32 $1.000000000e+00, v18;
	v11 =	vmul.f32 v11, v16;
	_ =	sdelay $0x1  }
0x190: {  	(erf) = vrcp.f32 v12;
	v11 =	vadd.f32 $6.666666860e-01, v11;
	_ =	sdelay $0x1  }
0x191: {  	v10 =	vmul.f32 v11, v16;
	_ =	sdelay $0x1  }
0x192: {  	v10 =	vadd.f32 $2.000000000e+00, v10;
	_ =	sdelay $0x1  }
0x193: {  	v9 =	vmul.f32 v10, v9  }
0x194: {  	v8 =	vmax.f32 v8, $0.0e+00  }
0x195: {  	v8 =	vadd.f32 v9, v8  }
0x196: {  	v19 =	vpop (erf)  }
0x197: {  	v8 =	vmul.f32 v8, v19;
	_ =	sdelay $0x1  }
0x198: {  	[tilespmem:s14+$0x10] =	vst v8  }
0x199: {  	v8 =	vld [tilespmem:s1+$0x160]  }
0x19a: {  	v20 =	vld [tilespmem:s1+$0x2960]  }
0x19b: {  	v21 =	vld [tilespmem:$0x5260];
	_ =	sdelay $0x1  }
0x19c: {  	v22 =	vld [tilespmem:$0x52E0];
	_ =	sdelay $0x1  }
0x19d: {  	v23 =	vld [tilespmem:$0x5360]  }
0x19e: {  	v8 =	vadd.f32 v20, v8;
	v24 =	vmul.f32 v21, v4  }
0x19f: {  	v25 =	vld [tilespmem:$0x53E0]  }
0x1a0: {  	v26 =	vmul.f32 v22, v7;
	v8 =	vadd.f32 v24, v8;
	_ =	sdelay $0x1  }
0x1a1: {  	v27 =	vmul.f32 v23, v6;
	v8 =	vadd.f32 v26, v8;
	_ =	sdelay $0x1  }
0x1a2: {  	v28 =	vmul.f32 v25, v5;
	v8 =	vadd.f32 v27, v8;
	_ =	sdelay $0x1  }
0x1a3: {  	v8 =	vadd.f32 v28, v8;
	_ =	sdelay $0x1  }
0x1a4: {  	v9 =	vand.u32 $0x7FFFFFFF, v8  }
0x1a5: {  	v9 =	vsub.f32 $0.0e+00, v9;
	_ =	sdelay $0x1  }
0x1a6: {  	v9 =	vmul.f32 $1.442695020e+00, v9  }
0x1a7: {  	v29 =	vld [tilespmem:s1+$0x560]  }
0x1a8: {  	v30 =	vld [tilespmem:s1+$0x2D60];
	(erf) = vpow2.f32 v9  }
0x1a9: {  	v31 =	vld [tilespmem:$0x5460];
	_ =	sdelay $0x1  }
0x1aa: {  	v32 =	vld [tilespmem:$0x54E0];
	_ =	sdelay $0x1  }
0x1ab: {  	v33 =	vld [tilespmem:$0x5560]  }
0x1ac: {  	v10 =	vadd.f32 v30, v29;
	v9 =	vmul.f32 v31, v4  }
0x1ad: {  	v34 =	vld [tilespmem:$0x55E0]  }
0x1ae: {  	v35 =	vmul.f32 v32, v7;
	v9 =	vadd.f32 v9, v10  }
0x1af: {  	v36 =	vpop (erf)  }
0x1b0: {  	v37 =	vmul.f32 v33, v6;
	v9 =	vadd.f32 v35, v9;
	v38 =	vadd.f32 $2.000000000e+00, v36;
	_ =	sdelay $0x1  }
0x1b1: {  	v39 =	vmul.f32 v34, v5;
	v9 =	vadd.f32 v37, v9;
	(erf) = vrcp.f32 v38;
	_ =	sdelay $0x1  }
0x1b2: {  	v9 =	vadd.f32 v39, v9;
	_ =	sdelay $0x1  }
0x1b3: {  	v9 =	vsub.f32 $0.0e+00, v9;
	_ =	sdelay $0x1  }
0x1b4: {  	v9 =	vmul.f32 $1.442695020e+00, v9;
	_ =	sdelay $0x1  }
0x1b5: {  	(erf) = vpow2.f32 v9  }
0x1b6: {  	v40 =	vpop (erf)  }
0x1b7: {  	v9 =	vmul.f32 v40, v36;
	_ =	sdelay $0x1  }
0x1b8: {  	v41 =	vmul.f32 v9, v9;
	_ =	sdelay $0x1  }
0x1b9: {  	v42 =	vmul.f32 $2.857142980e-01, v41;
	_ =	sdelay $0x1  }
0x1ba: {  	v11 =	vadd.f32 $4.000000060e-01, v42  }
0x1bb: {  	v43 =	vpop (erf)  }
0x1bc: {  	v12 =	vadd.f32 $1.000000000e+00, v43;
	v11 =	vmul.f32 v11, v41;
	_ =	sdelay $0x1  }
0x1bd: {  	(erf) = vrcp.f32 v12;
	v11 =	vadd.f32 $6.666666860e-01, v11;
	_ =	sdelay $0x1  }
0x1be: {  	v10 =	vmul.f32 v11, v41;
	_ =	sdelay $0x1  }
0x1bf: {  	v10 =	vadd.f32 $2.000000000e+00, v10;
	_ =	sdelay $0x1  }
0x1c0: {  	v9 =	vmul.f32 v10, v9  }
0x1c1: {  	v8 =	vmax.f32 v8, $0.0e+00  }
0x1c2: {  	v8 =	vadd.f32 v9, v8  }
0x1c3: {  	v44 =	vpop (erf)  }
0x1c4: {  	v8 =	vmul.f32 v8, v44;
	_ =	sdelay $0x1  }
0x1c5: {  	[tilespmem:s14+$0x20] =	vst v8  }
0x1c6: {  	v8 =	vld [tilespmem:s1+$0x170]  }
0x1c7: {  	v45 =	vld [tilespmem:s1+$0x2970]  }
0x1c8: {  	v46 =	vld [tilespmem:$0x5270];
	_ =	sdelay $0x1  }
0x1c9: {  	v47 =	vld [tilespmem:$0x52F0];
	_ =	sdelay $0x1  }
0x1ca: {  	v48 =	vld [tilespmem:$0x5370]  }
0x1cb: {  	v8 =	vadd.f32 v45, v8;
	v49 =	vmul.f32 v46, v4  }
0x1cc: {  	v50 =	vld [tilespmem:$0x53F0]  }
0x1cd: {  	v51 =	vmul.f32 v47, v7;
	v8 =	vadd.f32 v49, v8;
	_ =	sdelay $0x1  }
0x1ce: {  	v52 =	vmul.f32 v48, v6;
	v8 =	vadd.f32 v51, v8;
	_ =	sdelay $0x1  }
0x1cf: {  	v53 =	vmul.f32 v50, v5;
	v8 =	vadd.f32 v52, v8;
	_ =	sdelay $0x1  }
0x1d0: {  	v8 =	vadd.f32 v53, v8;
	_ =	sdelay $0x1  }
0x1d1: {  	v9 =	vand.u32 $0x7FFFFFFF, v8  }
0x1d2: {  	v9 =	vsub.f32 $0.0e+00, v9;
	_ =	sdelay $0x1  }
0x1d3: {  	v54 =	vld [tilespmem:s1+$0x570];
	v9 =	vmul.f32 $1.442695020e+00, v9  }
0x1d4: {  	v55 =	vld [tilespmem:s1+$0x2D70]  }
0x1d5: {  	v56 =	vld [tilespmem:$0x5470];
	(erf) = vpow2.f32 v9;
	_ =	sdelay $0x1  }
0x1d6: {  	v57 =	vld [tilespmem:$0x54F0];
	_ =	sdelay $0x1  }
0x1d7: {  	v58 =	vld [tilespmem:$0x5570]  }
0x1d8: {  	v10 =	vadd.f32 v55, v54;
	v4 =	vmul.f32 v56, v4  }
0x1d9: {  	v59 =	vld [tilespmem:$0x55F0]  }
0x1da: {  	v7 =	vmul.f32 v57, v7;
	v4 =	vadd.f32 v4, v10;
	_ =	sdelay $0x1  }
0x1db: {  	v6 =	vmul.f32 v58, v6;
	v4 =	vadd.f32 v7, v4;
	v60 =	vpop (erf)  }
0x1dc: {  	v61 =	vadd.f32 $2.000000000e+00, v60  }
0x1dd: {  	v5 =	vmul.f32 v59, v5;
	v4 =	vadd.f32 v6, v4  }
0x1de: {  	(erf) = vrcp.f32 v61  }
0x1df: {  	v4 =	vadd.f32 v5, v4;
	_ =	sdelay $0x1  }
0x1e0: {  	v4 =	vsub.f32 $0.0e+00, v4;
	_ =	sdelay $0x1  }
0x1e1: {  	v4 =	vmul.f32 $1.442695020e+00, v4;
	_ =	sdelay $0x2  }
0x1e2: {  	(erf) = vpow2.f32 v4  }
0x1e3: {  	v4 =	vpop (erf)  }
0x1e4: {  	v4 =	vmul.f32 v4, v60;
	_ =	sdelay $0x1  }
0x1e5: {  	v5 =	vmul.f32 v4, v4;
	_ =	sdelay $0x1  }
0x1e6: {  	v62 =	vmul.f32 $2.857142980e-01, v5;
	_ =	sdelay $0x1  }
0x1e7: {  	v6 =	vadd.f32 $4.000000060e-01, v62  }
0x1e8: {  	v63 =	vpop (erf)  }
0x1e9: {  	v7 =	vadd.f32 $1.000000000e+00, v63;
	v6 =	vmul.f32 v6, v5;
	_ =	sdelay $0x1  }
0x1ea: {  	(erf) = vrcp.f32 v7;
	v6 =	vadd.f32 $6.666666860e-01, v6;
	_ =	sdelay $0x1  }
0x1eb: {  	v5 =	vmul.f32 v6, v5;
	_ =	sdelay $0x1  }
0x1ec: {  	v5 =	vadd.f32 $2.000000000e+00, v5;
	_ =	sdelay $0x1  }
0x1ed: {  	v4 =	vmul.f32 v5, v4;
	v5 =	vmax.f32 v8, $0.0e+00  }
0x1ee: {  	p0 =	sne.s32 s13, $0x9F  }
.Ltmp2:
0x1ef: {  	v4 =	vadd.f32 v4, v5;
	(pc) =	sbr.rel @p0 .LBB2_7-.Ltmp2, $4  }
0x1f0: {  	v5 =	vpop (erf)  }
0x1f1: {  	v4 =	vmul.f32 v4, v5  }
0x1f2: {  	s15 =	sadd.s32 $0x100, s15  }
0x1f3: {  	s13 =	sadd.s32 $0x4, s13;
	s10 =	sadd.s32 $0x80, s10;
	[tilespmem:s14+$0x30] =	vst v4;
	s14 =	sadd.s32 $0x80, s14  }
0x1f4: {  	s9 =	sadd.s32 $0x1, s9  }
0x1f5: {  	p0 =	sne.s32 s9, $0xFA  }
.Ltmp3:
0x1f6: {  	s1 =	rddreg [dreg:$0x2];
	(pc) =	sbr.rel @p0 .LBB2_6-.Ltmp3, $4  }
0x1f7: {  	[spmem:s1] =	stream.indirect.scatter.add.f32 [tilespmem:s4], [sflag:$0x2], $0x80, s18, s0, $0xb8;
	[tilespmem:$0x1B200] =	vst v63  }
0x1f8: {  	_ =	swait.ge [sflag:s16], $0x1400  }
0x1f9: {  	[sflag:s16] =	ssyncset.done $0x0  }
0x1fa: {  	[sflag:s16] =	ssyncadd.s32 $0xFFFFEC00  }
0x1fb: {  	s1 =	stileid.u32  }
0x1fc: {  	[bflag:$0x0] =	sbarrier.arrive $0xFFFF;
	s1 =	sshll.u32 s1, $0x6  }
0x1fd: {  	s2 =	sshrl.u32 s12, $0x3;
	s9 =	rddreg [dreg:$0x7];
	s1 =	sor.u32 $0x1C02, s1  }
0x1fe: {  	[hbm:s9], [sflag:s1] =	dma.local [spmem:s2], $0x100  }
0x1ff: {  	s2 =	rddreg [dreg:$0x5]  }
0x200: {  	p0 =	sne.s32 s2, $0x1  }
.Ltmp4:
0x201: {  	_ = 	snop;
	(pc) =	sbr.rel @!p0 .LBB2_11-.Ltmp4, $3  }
0x202: {  	_ =	sdelay $0x1  }
0x203: {  	s10 =	smov.u32 s12  }
0x204: {  	s9 =	sadd.s32 $0x100, s9;
	_ =	swait.ge [sflag:s16], $0x100;
	s3 =	sadd.s32 $0xFFFFFFFF, s2  }
.LBB2_10:
0x205: {  	[sflag:s16] =	ssyncset.done $0x0;
	s10 =	sadd.s32 $0x800, s10;
	p0 =	sne.s32 s3, $0x1  }
.Ltmp5:
0x206: {  	s2 =	sshrl.u32 s10, $0x3;
	[sflag:s16] =	ssyncadd.s32 $0xFFFFFF00;
	(pc) =	sbr.rel @p0 .LBB2_10-.Ltmp5, $3  }
0x207: {  	[hbm:s9], [sflag:s1] =	dma.local [spmem:s2], $0x100  }
0x208: {  	s3 =	sadd.s32 $0xFFFFFFFF, s3;
	_ =	sdelay $0x1  }
0x209: {  	s9 =	sadd.s32 $0x100, s9;
	_ =	swait.ge [sflag:s16], $0x100  }
.LBB2_11:
0x20a: {  	s2 =	rddreg [dreg:$0x8]  }
0x20b: {  	s1 =	rddreg [dreg:$0x6];
	s2 =	sadd.s32 $0x1, s2  }
0x20c: {  	p0 =	sne.s32 s2, s1  }
.Ltmp6:
0x20d: {  	_ = 	snop;
	(pc) =	sbr.rel @p0 .LBB2_1-.Ltmp6, $3  }
0x20e: {  	_ =	sdelay $0x1  }
0x20f: {  	[sflag:s16] =	ssyncset.done $0x0  }
0x210: {  	[sflag:s16] =	ssyncadd.s32 $0xFFFFFF00  }
0x211: {  	_ =	sfence.sel $0x180000  }
0x212: {  	[bflag:$0x0] =	sbarrier.arrive $0xFFFF  }
0x213: {  	_ =	strace $0x90000047  }
0x214: {  	s0 =	stileid.u32;
	[bflag:$0x2] =	sbarrier.arrive $0xFFFF  }
0x215: {  	p0 =	sne.s32 s0, $0x0;
	s0 =	rddreg [dreg:$0x3]  }
0x216: {  	s0 =	sadd.s32 @!p0 $0x100000, s0  }
0x217: {  	[sflag:s0] =	ssyncadd.tile.s32 @!p0 $0x1;
	_ =	shalt  }
.Lfunc_end2:
_tile_overlayer_lowered:
.L_overlay_start_2:
0x218: {  	(tag) =	ssettag $0x2  }
0x219: {  	s0 =	rddreg [dreg:$0x0];
	s2 =	stileid.u32  }
0x21a: {  	s1 =	rddreg [dreg:$0x1];
	p0 =	sne.s32 s2, $0x0  }
0x21b: {  	s3 =	rddreg [dreg:$0x2];
	[bflag:$0x3] =	sbarrier.arrive $0xFFFF;
	s2 =	simm.s32 @!p0 $0x1C02  }
0x21c: {  	[timem:s3], [sflag:s2] =	dma.local @!p0 [hbm:s0], s1  }
0x21d: {  	s0 =	simm.s32 @!p0 $0x2  }
0x21e: {  	_ =	swait.ge @!p0 [sflag:s0], s1  }
0x21f: {  	s1 =	ssub.s32 @!p0 $0x0, s1;
	[sflag:s0] =	ssyncset.done @!p0 $0x0  }
0x220: {  	[sflag:s0] =	ssyncadd.s32 @!p0 s1  }
0x221: {  	[bflag:$0x3] =	sbarrier.arrive $0xFFFF  }
0x222: {  	_ =	shalt  }

</sc_bundles>
